<compile_context>
chip_gen: v7x
topology: tpu7x:2x2x1
jax: 0.10.2.dev20260603
libtpu: 0.0.44.dev20260713+nightly
codegen_flags: <defaults>
</compile_context>

<pallas_src>
import jax
import jax.numpy as jnp
from jax import lax
from jax.experimental import pallas as pl
from jax.experimental.pallas import tpu as pltpu
from jax.experimental.pallas import tpu_sc as plsc

D_IN = 1024
D_OUT = 1024
NUM_EXPERTS = 8
T = 2048
A = 2 * T
R = A + T

TILE = 256
TILE_M = 256
N_TILES = A // TILE_M + NUM_EXPERTS
GXR = N_TILES * TILE_M

NC = 2
NS = 16
NW = NC * NS
TW = T // NW


def _gating_kernel(x_ref, gate_w_ref, weight_w_ref,
                   p0_ref, p1_ref, c0_ref, c1_ref, cr_ref, offs_ref,
                   grp_ref, valid_ref):
    x = x_ref[...]
    logits = jnp.dot(x, gate_w_ref[...], preferred_element_type=jnp.float32)
    probs = jax.nn.softmax(logits, axis=-1)
    lane = jax.lax.broadcasted_iota(jnp.int32, probs.shape, 1)
    i1 = jnp.argmax(probs, axis=-1)[:, None]
    v1 = jnp.max(probs, axis=-1, keepdims=True)
    probs2 = jnp.where(lane == i1, -1.0, probs)
    i2 = jnp.argmax(probs2, axis=-1)[:, None]
    v2 = jnp.max(probs2, axis=-1, keepdims=True)
    oh1 = (lane == i1).astype(jnp.float32)
    oh2 = (lane == i2).astype(jnp.float32)

    cnt = oh1 + oh2
    row = jax.lax.broadcasted_iota(jnp.int32, (T, NUM_EXPERTS), 0)
    cs = cnt
    sh = 1
    while sh < T:
        cs = cs + jnp.where(row >= sh, pltpu.roll(cs, sh, 0), 0.0)
        sh *= 2
    excl = cs - cnt
    totals = cs[T - 1:T, :]
    tpad = jnp.floor((totals + float(TILE_M - 1)) * (1.0 / TILE_M)) * TILE_M

    base1 = jnp.sum(jnp.where(lane < i1, tpad, 0.0), axis=-1, keepdims=True)
    base2 = jnp.sum(jnp.where(lane < i2, tpad, 0.0), axis=-1, keepdims=True)
    rank1 = jnp.sum(oh1 * excl, axis=-1, keepdims=True)
    rank2 = jnp.sum(oh2 * excl, axis=-1, keepdims=True)
    p0 = base1 + rank1
    p1 = base2 + rank2
    p0_ref[...] = p0.astype(jnp.int32)
    p1_ref[...] = p1.astype(jnp.int32)

    wlog = jnp.dot(x, weight_w_ref[...], preferred_element_type=jnp.float32)
    ow = jax.nn.softmax(wlog, axis=-1)
    ow0 = ow[:, 0:1]
    c0_ref[...] = ow0 * v1
    c1_ref[...] = ow0 * v2
    cr_ref[...] = ow[:, 1:2]

    ri8 = jax.lax.broadcasted_iota(jnp.int32, (NUM_EXPERTS, NUM_EXPERTS), 0)
    ci8 = jax.lax.broadcasted_iota(jnp.int32, (NUM_EXPERTS, NUM_EXPERTS), 1)
    tpad_b = jnp.broadcast_to(tpad, (NUM_EXPERTS, NUM_EXPERTS))
    incl_col = jnp.sum(jnp.where(ci8 <= ri8, tpad_b, 0.0), axis=1,
                       keepdims=True)
    total = incl_col[NUM_EXPERTS - 1:NUM_EXPERTS, :]
    ts = (jax.lax.broadcasted_iota(jnp.int32, (NUM_EXPERTS, N_TILES), 1)
          * TILE_M).astype(jnp.float32)
    grp = jnp.sum((jnp.broadcast_to(incl_col, (NUM_EXPERTS, N_TILES)) <= ts)
                  .astype(jnp.float32), axis=0, keepdims=True)
    grp = jnp.minimum(grp, float(NUM_EXPERTS - 1))
    valid = (ts[0:1, :] < total).astype(jnp.float32)
    grp_ref[...] = grp.astype(jnp.int32)
    valid_ref[...] = valid.astype(jnp.int32)
    nvt = total * (1.0 / TILE_M)
    offs_ref[...] = jnp.concatenate(
        [tpad, nvt, tpad[:, :7] * 0.0], axis=1).astype(jnp.int32)


def _gating(x, gate_w, weight_w):
    return pl.pallas_call(
        _gating_kernel,
        grid=(1,),
        in_specs=[
            pl.BlockSpec((T, D_IN), lambda i: (0, 0)),
            pl.BlockSpec((D_IN, NUM_EXPERTS), lambda i: (0, 0)),
            pl.BlockSpec((D_IN, 2), lambda i: (0, 0)),
        ],
        out_specs=[
            pl.BlockSpec((T, 1), lambda i: (0, 0)),
            pl.BlockSpec((T, 1), lambda i: (0, 0)),
            pl.BlockSpec((T, 1), lambda i: (0, 0)),
            pl.BlockSpec((T, 1), lambda i: (0, 0)),
            pl.BlockSpec((T, 1), lambda i: (0, 0)),
            pl.BlockSpec((1, 16), lambda i: (0, 0)),
            pl.BlockSpec((1, N_TILES), lambda i: (0, 0)),
            pl.BlockSpec((1, N_TILES), lambda i: (0, 0)),
        ],
        out_shape=[
            jax.ShapeDtypeStruct((T, 1), jnp.int32),
            jax.ShapeDtypeStruct((T, 1), jnp.int32),
            jax.ShapeDtypeStruct((T, 1), jnp.float32),
            jax.ShapeDtypeStruct((T, 1), jnp.float32),
            jax.ShapeDtypeStruct((T, 1), jnp.float32),
            jax.ShapeDtypeStruct((1, 16), jnp.int32),
            jax.ShapeDtypeStruct((1, N_TILES), jnp.int32),
            jax.ShapeDtypeStruct((1, N_TILES), jnp.int32),
        ],
    )(x, gate_w, weight_w)


def _scatter_body(x_hbm, p0_hbm, p1_hbm, gx_hbm, idx0_v, idx1_v, rows_v, sem):
    wid = lax.axis_index("s") * NC + lax.axis_index("c")
    base = wid * TW
    pltpu.sync_copy(p0_hbm.at[pl.ds(base, TW)], idx0_v)
    pltpu.sync_copy(p1_hbm.at[pl.ds(base, TW)], idx1_v)
    pltpu.sync_copy(x_hbm.at[pl.ds(base, TW)], rows_v)
    pltpu.async_copy(rows_v, gx_hbm.at[idx0_v], sem).wait()
    pltpu.async_copy(rows_v, gx_hbm.at[idx1_v], sem).wait()


def _sc_scatter(x, p0, p1):
    mesh = plsc.VectorSubcoreMesh(core_axis_name="c", subcore_axis_name="s")
    return pl.kernel(
        _scatter_body,
        out_type=jax.ShapeDtypeStruct((GXR, D_IN), jnp.float32),
        mesh=mesh,
        scratch_types=[
            pltpu.VMEM((TW,), jnp.int32),
            pltpu.VMEM((TW,), jnp.int32),
            pltpu.VMEM((TW, D_IN), jnp.float32),
            pltpu.SemaphoreType.DMA,
        ],
    )(x, p0, p1)


def _gmm_kernel(grp_r, valid_r, nvt_r, gx_ref, ew_ref, eb_ref, y_ref):
    i = pl.program_id(0)
    g = grp_r[i]

    @pl.when(valid_r[i] == 1)
    def _expert():
        sub = jax.lax.broadcasted_iota(jnp.int32, (NUM_EXPERTS, 1), 0)
        eb = jnp.sum(jnp.where(sub == g, eb_ref[...], 0.0), axis=0,
                     keepdims=True)
        y_ref[...] = jnp.dot(gx_ref[...], ew_ref[0],
                             preferred_element_type=jnp.float32) + eb


def _moe_matmul(grp_id, valid, nvt, gx, expert_w, expert_b):
    grid_spec = pltpu.PrefetchScalarGridSpec(
        num_scalar_prefetch=3,
        grid=(N_TILES,),
        in_specs=[
            pl.BlockSpec((TILE_M, D_IN),
                         lambda i, gr, vr, nv: (jnp.minimum(i, nv[0] - 1), 0)),
            pl.BlockSpec((1, D_IN, D_OUT),
                         lambda i, gr, vr, nv: (gr[i], 0, 0)),
            pl.BlockSpec((NUM_EXPERTS, D_OUT),
                         lambda i, gr, vr, nv: (0, 0)),
        ],
        out_specs=pl.BlockSpec((TILE_M, D_OUT),
                               lambda i, gr, vr, nv: (jnp.minimum(i, nv[0] - 1), 0)),
    )
    return pl.pallas_call(
        _gmm_kernel,
        grid_spec=grid_spec,
        out_shape=jax.ShapeDtypeStruct((GXR, D_OUT), jnp.float32),
        compiler_params=pltpu.CompilerParams(
            dimension_semantics=("arbitrary",)),
    )(grp_id, valid, nvt, gx, expert_w, expert_b)


def _res_kernel(x_ref, rw_ref, rb_ref, cr_ref, yres_ref):
    y = jnp.dot(x_ref[...], rw_ref[...],
                preferred_element_type=jnp.float32) + rb_ref[...][None, :]
    yres_ref[...] = cr_ref[...] * y


def _res_matmul(x, res_w, res_b, cr):
    m_tiles = T // TILE
    return pl.pallas_call(
        _res_kernel,
        grid=(m_tiles,),
        in_specs=[
            pl.BlockSpec((TILE, D_IN), lambda m: (m, 0)),
            pl.BlockSpec((D_IN, D_OUT), lambda m: (0, 0)),
            pl.BlockSpec((D_OUT,), lambda m: (0,)),
            pl.BlockSpec((TILE, 1), lambda m: (m, 0)),
        ],
        out_specs=pl.BlockSpec((TILE, D_OUT), lambda m: (m, 0)),
        out_shape=jax.ShapeDtypeStruct((T, D_OUT), jnp.float32),
    )(x, res_w, res_b, cr)


def _gather_body(y_hbm, p0_hbm, p1_hbm, y1_hbm, y2_hbm,
                 idx0_v, idx1_v, rows_v, sem):
    wid = lax.axis_index("s") * NC + lax.axis_index("c")
    base = wid * TW
    pltpu.sync_copy(p0_hbm.at[pl.ds(base, TW)], idx0_v)
    pltpu.sync_copy(p1_hbm.at[pl.ds(base, TW)], idx1_v)
    pltpu.async_copy(y_hbm.at[idx0_v], rows_v, sem).wait()
    pltpu.sync_copy(rows_v, y1_hbm.at[pl.ds(base, TW)])
    pltpu.async_copy(y_hbm.at[idx1_v], rows_v, sem).wait()
    pltpu.sync_copy(rows_v, y2_hbm.at[pl.ds(base, TW)])


def _sc_gather(y, p0, p1):
    mesh = plsc.VectorSubcoreMesh(core_axis_name="c", subcore_axis_name="s")
    return pl.kernel(
        _gather_body,
        out_type=[
            jax.ShapeDtypeStruct((T, D_OUT), jnp.float32),
            jax.ShapeDtypeStruct((T, D_OUT), jnp.float32),
        ],
        mesh=mesh,
        scratch_types=[
            pltpu.VMEM((TW,), jnp.int32),
            pltpu.VMEM((TW,), jnp.int32),
            pltpu.VMEM((TW, D_OUT), jnp.float32),
            pltpu.SemaphoreType.DMA,
        ],
    )(y, p0, p1)


def _combine_kernel(y1_ref, y2_ref, yres_ref, c0_ref, c1_ref, out_ref):
    out_ref[...] = (c0_ref[...] * y1_ref[...] + c1_ref[...] * y2_ref[...]
                    + yres_ref[...])


TILE_C = 512


def _combine(y1, y2, yres, c0, c1):
    m_tiles = T // TILE_C
    return pl.pallas_call(
        _combine_kernel,
        grid=(m_tiles,),
        in_specs=[
            pl.BlockSpec((TILE_C, D_OUT), lambda m: (m, 0)),
            pl.BlockSpec((TILE_C, D_OUT), lambda m: (m, 0)),
            pl.BlockSpec((TILE_C, D_OUT), lambda m: (m, 0)),
            pl.BlockSpec((TILE_C, 1), lambda m: (m, 0)),
            pl.BlockSpec((TILE_C, 1), lambda m: (m, 0)),
        ],
        out_specs=pl.BlockSpec((TILE_C, D_OUT), lambda m: (m, 0)),
        out_shape=jax.ShapeDtypeStruct((T, D_OUT), jnp.float32),
    )(y1, y2, yres, c0, c1)


def kernel(x, gate_w, expert_w, expert_b, res_gate_w, res_w, res_b, weight_w):
    del res_gate_w
    (p0_2d, p1_2d, c0_2d, c1_2d, cr_2d, counts16, grp24,
     valid24) = _gating(x, gate_w, weight_w)
    p0 = p0_2d.reshape(T)
    p1 = p1_2d.reshape(T)
    grp_id = grp24.reshape(N_TILES)
    valid = valid24.reshape(N_TILES)
    nvt = counts16[0, NUM_EXPERTS:NUM_EXPERTS + 1]
    gx = _sc_scatter(x, p0, p1)
    yres = _res_matmul(x, res_w, res_b, cr_2d)
    y = _moe_matmul(grp_id, valid, nvt, gx, expert_w, expert_b)
    y1, y2 = _sc_gather(y, p0, p1)
    return _combine(y1, y2, yres, c0_2d, c1_2d)

# --- scband reference (transcript-rebuilt; emitter-appended) ---
"""Pipeline reference for scband-linear-mo-eresidual-layer-24988119728924 (READ-ONLY COPY).

The authoritative reference and input builder live on the scoring server;
editing this copy changes nothing except your own understanding.
"""

import jax, jax.numpy as jnp
import numpy as np

D_IN = 1024
D_OUT = 1024
NUM_EXPERTS = 8
NUM_SELECTS = 2
T = 2048


def setup_inputs(seed: int = 0) -> dict:
    key = jax.random.key(seed)
    ks = jax.random.split(key, 8)
    x = jax.random.normal(ks[0], (T, D_IN), dtype=jnp.float32)
    gate_w = jax.random.normal(ks[1], (D_IN, NUM_EXPERTS), dtype=jnp.float32) * 0.02
    expert_w = jax.random.normal(ks[2], (NUM_EXPERTS, D_IN, D_OUT), dtype=jnp.float32) * 0.02
    expert_b = jax.random.normal(ks[3], (NUM_EXPERTS, D_OUT), dtype=jnp.float32) * 0.02
    res_gate_w = jax.random.normal(ks[4], (D_IN, 1), dtype=jnp.float32) * 0.02
    res_w = jax.random.normal(ks[5], (D_IN, D_OUT), dtype=jnp.float32) * 0.02
    res_b = jax.random.normal(ks[6], (D_OUT,), dtype=jnp.float32) * 0.02
    weight_w = jax.random.normal(ks[7], (D_IN, 2), dtype=jnp.float32) * 0.02
    return {
        'x': x,
        'gate_w': gate_w,
        'expert_w': expert_w,
        'expert_b': expert_b,
        'res_gate_w': res_gate_w,
        'res_w': res_w,
        'res_b': res_b,
        'weight_w': weight_w,
    }


def reference(x, gate_w, expert_w, expert_b, res_gate_w, res_w, res_b, weight_w):
    # --- moe_layer: LinearMoELayer with softmax gate + top-k routing ---
    logits = x @ gate_w                                  # [T, E]
    probs = jax.nn.softmax(logits, axis=-1)
    top_v, top_i = jax.lax.top_k(probs, NUM_SELECTS)     # [T, k]
    t = probs.shape[0]
    mask = jnp.zeros_like(probs).at[jnp.arange(t)[:, None], top_i].set(top_v)  # sparse gate scores [T, E]
    moe_hidden = jnp.zeros((t, D_OUT), dtype=x.dtype)
    for e in range(NUM_EXPERTS):
        moe_hidden = moe_hidden + mask[:, e:e + 1] * (x @ expert_w[e] + expert_b[e])
    # --- residual_block: single-expert LinearMoELayer, UniformLearnableGate with softmax ---
    res_score = jax.nn.softmax(x @ res_gate_w, axis=-1)  # [T, 1] -> all ones (softmax over 1 logit)
    res_hidden = (x @ res_w + res_b) * res_score         # score_scale_factor = 1.0
    # --- weighting_network: Linear(d, 2, bias=False) + Softmax ---
    ow = jax.nn.softmax(x @ weight_w, axis=-1)           # [T, 2]
    out = moe_hidden * ow[:, 0:1] + res_hidden * ow[:, 1:2]
    return out

if __name__ == "__main__":
    import jax
    _d = setup_inputs()
    print(jax.jit(kernel)(*tuple(_d.values())))

</pallas_src>

<mosaic_0001>
#map = affine_map<(d0, d1) -> (0, 0)>
#map1 = affine_map<(d0, d1) -> (0)>
module attributes {stable_mosaic.version = 14 : i64} {
  func.func @_gather_body(%arg0: i32, %arg1: i32, %arg2: memref<6144x1024xf32, #tpu.memory_space<hbm>>, %arg3: memref<2048xi32, #tpu.memory_space<hbm>>, %arg4: memref<2048xi32, #tpu.memory_space<hbm>>, %arg5: memref<2048x1024xf32, #tpu.memory_space<hbm>>, %arg6: memref<2048x1024xf32, #tpu.memory_space<hbm>>, %arg7: memref<64xi32, #tpu.memory_space<vmem>>, %arg8: memref<64xi32, #tpu.memory_space<vmem>>, %arg9: memref<64x1024xf32, #tpu.memory_space<vmem>>, %arg10: memref<!tpu.dma_semaphore, #tpu.memory_space<semaphore_mem>>) attributes {dimension_semantics = [#tpu.dimension_semantics<core_parallel>, #tpu.dimension_semantics<subcore_parallel>], iteration_bounds = array<i64: 2, 16>, scalar_prefetch = 0 : i64, scratch_operands = 4 : i64, tpu.core_type = #tpu.core_type<sc_vector_subcore>, window_params = [{transform_indices = #map}, {transform_indices = #map1}, {transform_indices = #map1}, {transform_indices = #map}, {transform_indices = #map}]} {
    %mul3A = arith.constant 2 : i32
    %mul3A_0 = arith.muli %arg1, %mul3A : i32
    %add3A = arith.addi %mul3A_0, %arg0 : i32
    %mul3A_1 = arith.constant 64 : i32
    %mul3A_2 = arith.muli %add3A, %mul3A_1 : i32
    "tpu.region"() ({
      %run_scoped3A = tpu.sem_alloc : memref<!tpu.dma_semaphore, #tpu.memory_space<semaphore_mem>>
      %dma_start3A_13 = tpu.memref_slice %arg3[%mul3A_2] : memref<2048xi32, #tpu.memory_space<hbm>> -> memref<64xi32, #tpu.memory_space<hbm>>
      %dma_start3A_14 = tpu.memref_slice %arg3[%mul3A_2] : memref<2048xi32, #tpu.memory_space<hbm>> -> memref<64xi32, #tpu.memory_space<hbm>>
      tpu.enqueue_dma source(%dma_start3A_14 : memref<64xi32, #tpu.memory_space<hbm>>) target(%arg7 : memref<64xi32, #tpu.memory_space<vmem>>) target_semaphore(%run_scoped3A : memref<!tpu.dma_semaphore, #tpu.memory_space<semaphore_mem>>)
      %dma_wait3A_15 = tpu.memref_slice %arg3[%mul3A_2] : memref<2048xi32, #tpu.memory_space<hbm>> -> memref<64xi32, #tpu.memory_space<hbm>>
      %dma_wait3A_16 = tpu.memref_slice %arg3[%mul3A_2] : memref<2048xi32, #tpu.memory_space<hbm>> -> memref<64xi32, #tpu.memory_space<hbm>>
      tpu.wait_dma2 semaphore(%run_scoped3A : memref<!tpu.dma_semaphore, #tpu.memory_space<semaphore_mem>>) src(%dma_wait3A_16 : memref<64xi32, #tpu.memory_space<hbm>>) dst(%arg7 : memref<64xi32, #tpu.memory_space<vmem>>)
      tpu.yield
    }) : () -> ()
    "tpu.region"() ({
      %run_scoped3A = tpu.sem_alloc : memref<!tpu.dma_semaphore, #tpu.memory_space<semaphore_mem>>
      %dma_start3A_13 = tpu.memref_slice %arg4[%mul3A_2] : memref<2048xi32, #tpu.memory_space<hbm>> -> memref<64xi32, #tpu.memory_space<hbm>>
      %dma_start3A_14 = tpu.memref_slice %arg4[%mul3A_2] : memref<2048xi32, #tpu.memory_space<hbm>> -> memref<64xi32, #tpu.memory_space<hbm>>
      tpu.enqueue_dma source(%dma_start3A_14 : memref<64xi32, #tpu.memory_space<hbm>>) target(%arg8 : memref<64xi32, #tpu.memory_space<vmem>>) target_semaphore(%run_scoped3A : memref<!tpu.dma_semaphore, #tpu.memory_space<semaphore_mem>>)
      %dma_wait3A_15 = tpu.memref_slice %arg4[%mul3A_2] : memref<2048xi32, #tpu.memory_space<hbm>> -> memref<64xi32, #tpu.memory_space<hbm>>
      %dma_wait3A_16 = tpu.memref_slice %arg4[%mul3A_2] : memref<2048xi32, #tpu.memory_space<hbm>> -> memref<64xi32, #tpu.memory_space<hbm>>
      tpu.wait_dma2 semaphore(%run_scoped3A : memref<!tpu.dma_semaphore, #tpu.memory_space<semaphore_mem>>) src(%dma_wait3A_16 : memref<64xi32, #tpu.memory_space<hbm>>) dst(%arg8 : memref<64xi32, #tpu.memory_space<vmem>>)
      tpu.yield
    }) : () -> ()
    %dma_start3A = arith.constant 0 : i32
    %dma_start3A_3 = arith.constant 0 : i32
    %dma_start3A_4 = tpu.memref_slice %arg2[%dma_start3A, %dma_start3A_3] : memref<6144x1024xf32, #tpu.memory_space<hbm>> -> memref<6144x1024xf32, #tpu.memory_space<hbm>>
    tpu.enqueue_indirect_dma source(%dma_start3A_4 : memref<6144x1024xf32, #tpu.memory_space<hbm>>) target(%arg9 : memref<64x1024xf32, #tpu.memory_space<vmem>>) offsets(%arg7 : memref<64xi32, #tpu.memory_space<vmem>>) semaphore(%arg10 : memref<!tpu.dma_semaphore, #tpu.memory_space<semaphore_mem>>)
    %dma_wait3A = arith.constant 0 : i32
    %dma_wait3A_5 = arith.constant 0 : i32
    %dma_wait3A_6 = tpu.memref_slice %arg2[%dma_wait3A, %dma_wait3A_5] : memref<6144x1024xf32, #tpu.memory_space<hbm>> -> memref<6144x1024xf32, #tpu.memory_space<hbm>>
    tpu.wait_indirect_dma semaphore(%arg10 : memref<!tpu.dma_semaphore, #tpu.memory_space<semaphore_mem>>) src(%dma_wait3A_6 : memref<6144x1024xf32, #tpu.memory_space<hbm>>) dst(%arg9 : memref<64x1024xf32, #tpu.memory_space<vmem>>)
    "tpu.region"() ({
      %run_scoped3A = tpu.sem_alloc : memref<!tpu.dma_semaphore, #tpu.memory_space<semaphore_mem>>
      %dma_start3A_13 = arith.constant 0 : i32
      %dma_start3A_14 = tpu.memref_slice %arg5[%mul3A_2, %dma_start3A_13] : memref<2048x1024xf32, #tpu.memory_space<hbm>> -> memref<64x1024xf32, #tpu.memory_space<hbm>>
      %dma_start3A_15 = arith.constant 0 : i32
      %dma_start3A_16 = tpu.memref_slice %arg5[%mul3A_2, %dma_start3A_15] : memref<2048x1024xf32, #tpu.memory_space<hbm>> -> memref<64x1024xf32, #tpu.memory_space<hbm>>
      tpu.enqueue_dma source(%arg9 : memref<64x1024xf32, #tpu.memory_space<vmem>>) target(%dma_start3A_16 : memref<64x1024xf32, #tpu.memory_space<hbm>>) target_semaphore(%run_scoped3A : memref<!tpu.dma_semaphore, #tpu.memory_space<semaphore_mem>>)
      %dma_wait3A_17 = arith.constant 0 : i32
      %dma_wait3A_18 = tpu.memref_slice %arg5[%mul3A_2, %dma_wait3A_17] : memref<2048x1024xf32, #tpu.memory_space<hbm>> -> memref<64x1024xf32, #tpu.memory_space<hbm>>
      %dma_wait3A_19 = arith.constant 0 : i32
      %dma_wait3A_20 = tpu.memref_slice %arg5[%mul3A_2, %dma_wait3A_19] : memref<2048x1024xf32, #tpu.memory_space<hbm>> -> memref<64x1024xf32, #tpu.memory_space<hbm>>
      tpu.wait_dma2 semaphore(%run_scoped3A : memref<!tpu.dma_semaphore, #tpu.memory_space<semaphore_mem>>) src(%arg9 : memref<64x1024xf32, #tpu.memory_space<vmem>>) dst(%dma_wait3A_20 : memref<64x1024xf32, #tpu.memory_space<hbm>>)
      tpu.yield
    }) : () -> ()
    %dma_start3A_7 = arith.constant 0 : i32
    %dma_start3A_8 = arith.constant 0 : i32
    %dma_start3A_9 = tpu.memref_slice %arg2[%dma_start3A_7, %dma_start3A_8] : memref<6144x1024xf32, #tpu.memory_space<hbm>> -> memref<6144x1024xf32, #tpu.memory_space<hbm>>
    tpu.enqueue_indirect_dma source(%dma_start3A_9 : memref<6144x1024xf32, #tpu.memory_space<hbm>>) target(%arg9 : memref<64x1024xf32, #tpu.memory_space<vmem>>) offsets(%arg8 : memref<64xi32, #tpu.memory_space<vmem>>) semaphore(%arg10 : memref<!tpu.dma_semaphore, #tpu.memory_space<semaphore_mem>>)
    %dma_wait3A_10 = arith.constant 0 : i32
    %dma_wait3A_11 = arith.constant 0 : i32
    %dma_wait3A_12 = tpu.memref_slice %arg2[%dma_wait3A_10, %dma_wait3A_11] : memref<6144x1024xf32, #tpu.memory_space<hbm>> -> memref<6144x1024xf32, #tpu.memory_space<hbm>>
    tpu.wait_indirect_dma semaphore(%arg10 : memref<!tpu.dma_semaphore, #tpu.memory_space<semaphore_mem>>) src(%dma_wait3A_12 : memref<6144x1024xf32, #tpu.memory_space<hbm>>) dst(%arg9 : memref<64x1024xf32, #tpu.memory_space<vmem>>)
    "tpu.region"() ({
      %run_scoped3A = tpu.sem_alloc : memref<!tpu.dma_semaphore, #tpu.memory_space<semaphore_mem>>
      %dma_start3A_13 = arith.constant 0 : i32
      %dma_start3A_14 = tpu.memref_slice %arg6[%mul3A_2, %dma_start3A_13] : memref<2048x1024xf32, #tpu.memory_space<hbm>> -> memref<64x1024xf32, #tpu.memory_space<hbm>>
      %dma_start3A_15 = arith.constant 0 : i32
      %dma_start3A_16 = tpu.memref_slice %arg6[%mul3A_2, %dma_start3A_15] : memref<2048x1024xf32, #tpu.memory_space<hbm>> -> memref<64x1024xf32, #tpu.memory_space<hbm>>
      tpu.enqueue_dma source(%arg9 : memref<64x1024xf32, #tpu.memory_space<vmem>>) target(%dma_start3A_16 : memref<64x1024xf32, #tpu.memory_space<hbm>>) target_semaphore(%run_scoped3A : memref<!tpu.dma_semaphore, #tpu.memory_space<semaphore_mem>>)
      %dma_wait3A_17 = arith.constant 0 : i32
      %dma_wait3A_18 = tpu.memref_slice %arg6[%mul3A_2, %dma_wait3A_17] : memref<2048x1024xf32, #tpu.memory_space<hbm>> -> memref<64x1024xf32, #tpu.memory_space<hbm>>
      %dma_wait3A_19 = arith.constant 0 : i32
      %dma_wait3A_20 = tpu.memref_slice %arg6[%mul3A_2, %dma_wait3A_19] : memref<2048x1024xf32, #tpu.memory_space<hbm>> -> memref<64x1024xf32, #tpu.memory_space<hbm>>
      tpu.wait_dma2 semaphore(%run_scoped3A : memref<!tpu.dma_semaphore, #tpu.memory_space<semaphore_mem>>) src(%arg9 : memref<64x1024xf32, #tpu.memory_space<vmem>>) dst(%dma_wait3A_20 : memref<64x1024xf32, #tpu.memory_space<hbm>>)
      tpu.yield
    }) : () -> ()
    return
  }
}

#map = affine_map<(d0, d1) -> (0, 0)>
#map1 = affine_map<(d0, d1) -> (0)>
module attributes {stable_mosaic.version = 14 : i64} {
  func.func @_scatter_body(%arg0: i32, %arg1: i32, %arg2: memref<2048x1024xf32, #tpu.memory_space<hbm>>, %arg3: memref<2048xi32, #tpu.memory_space<hbm>>, %arg4: memref<2048xi32, #tpu.memory_space<hbm>>, %arg5: memref<6144x1024xf32, #tpu.memory_space<hbm>>, %arg6: memref<64xi32, #tpu.memory_space<vmem>>, %arg7: memref<64xi32, #tpu.memory_space<vmem>>, %arg8: memref<64x1024xf32, #tpu.memory_space<vmem>>, %arg9: memref<!tpu.dma_semaphore, #tpu.memory_space<semaphore_mem>>) attributes {dimension_semantics = [#tpu.dimension_semantics<core_parallel>, #tpu.dimension_semantics<subcore_parallel>], iteration_bounds = array<i64: 2, 16>, scalar_prefetch = 0 : i64, scratch_operands = 4 : i64, tpu.core_type = #tpu.core_type<sc_vector_subcore>, window_params = [{transform_indices = #map}, {transform_indices = #map1}, {transform_indices = #map1}, {transform_indices = #map}]} {
    %mul3A = arith.constant 2 : i32
    %mul3A_0 = arith.muli %arg1, %mul3A : i32
    %add3A = arith.addi %mul3A_0, %arg0 : i32
    %mul3A_1 = arith.constant 64 : i32
    %mul3A_2 = arith.muli %add3A, %mul3A_1 : i32
    "tpu.region"() ({
      %run_scoped3A = tpu.sem_alloc : memref<!tpu.dma_semaphore, #tpu.memory_space<semaphore_mem>>
      %dma_start3A_13 = tpu.memref_slice %arg3[%mul3A_2] : memref<2048xi32, #tpu.memory_space<hbm>> -> memref<64xi32, #tpu.memory_space<hbm>>
      %dma_start3A_14 = tpu.memref_slice %arg3[%mul3A_2] : memref<2048xi32, #tpu.memory_space<hbm>> -> memref<64xi32, #tpu.memory_space<hbm>>
      tpu.enqueue_dma source(%dma_start3A_14 : memref<64xi32, #tpu.memory_space<hbm>>) target(%arg6 : memref<64xi32, #tpu.memory_space<vmem>>) target_semaphore(%run_scoped3A : memref<!tpu.dma_semaphore, #tpu.memory_space<semaphore_mem>>)
      %dma_wait3A_15 = tpu.memref_slice %arg3[%mul3A_2] : memref<2048xi32, #tpu.memory_space<hbm>> -> memref<64xi32, #tpu.memory_space<hbm>>
      %dma_wait3A_16 = tpu.memref_slice %arg3[%mul3A_2] : memref<2048xi32, #tpu.memory_space<hbm>> -> memref<64xi32, #tpu.memory_space<hbm>>
      tpu.wait_dma2 semaphore(%run_scoped3A : memref<!tpu.dma_semaphore, #tpu.memory_space<semaphore_mem>>) src(%dma_wait3A_16 : memref<64xi32, #tpu.memory_space<hbm>>) dst(%arg6 : memref<64xi32, #tpu.memory_space<vmem>>)
      tpu.yield
    }) : () -> ()
    "tpu.region"() ({
      %run_scoped3A = tpu.sem_alloc : memref<!tpu.dma_semaphore, #tpu.memory_space<semaphore_mem>>
      %dma_start3A_13 = tpu.memref_slice %arg4[%mul3A_2] : memref<2048xi32, #tpu.memory_space<hbm>> -> memref<64xi32, #tpu.memory_space<hbm>>
      %dma_start3A_14 = tpu.memref_slice %arg4[%mul3A_2] : memref<2048xi32, #tpu.memory_space<hbm>> -> memref<64xi32, #tpu.memory_space<hbm>>
      tpu.enqueue_dma source(%dma_start3A_14 : memref<64xi32, #tpu.memory_space<hbm>>) target(%arg7 : memref<64xi32, #tpu.memory_space<vmem>>) target_semaphore(%run_scoped3A : memref<!tpu.dma_semaphore, #tpu.memory_space<semaphore_mem>>)
      %dma_wait3A_15 = tpu.memref_slice %arg4[%mul3A_2] : memref<2048xi32, #tpu.memory_space<hbm>> -> memref<64xi32, #tpu.memory_space<hbm>>
      %dma_wait3A_16 = tpu.memref_slice %arg4[%mul3A_2] : memref<2048xi32, #tpu.memory_space<hbm>> -> memref<64xi32, #tpu.memory_space<hbm>>
      tpu.wait_dma2 semaphore(%run_scoped3A : memref<!tpu.dma_semaphore, #tpu.memory_space<semaphore_mem>>) src(%dma_wait3A_16 : memref<64xi32, #tpu.memory_space<hbm>>) dst(%arg7 : memref<64xi32, #tpu.memory_space<vmem>>)
      tpu.yield
    }) : () -> ()
    "tpu.region"() ({
      %run_scoped3A = tpu.sem_alloc : memref<!tpu.dma_semaphore, #tpu.memory_space<semaphore_mem>>
      %dma_start3A_13 = arith.constant 0 : i32
      %dma_start3A_14 = tpu.memref_slice %arg2[%mul3A_2, %dma_start3A_13] : memref<2048x1024xf32, #tpu.memory_space<hbm>> -> memref<64x1024xf32, #tpu.memory_space<hbm>>
      %dma_start3A_15 = arith.constant 0 : i32
      %dma_start3A_16 = tpu.memref_slice %arg2[%mul3A_2, %dma_start3A_15] : memref<2048x1024xf32, #tpu.memory_space<hbm>> -> memref<64x1024xf32, #tpu.memory_space<hbm>>
      tpu.enqueue_dma source(%dma_start3A_16 : memref<64x1024xf32, #tpu.memory_space<hbm>>) target(%arg8 : memref<64x1024xf32, #tpu.memory_space<vmem>>) target_semaphore(%run_scoped3A : memref<!tpu.dma_semaphore, #tpu.memory_space<semaphore_mem>>)
      %dma_wait3A_17 = arith.constant 0 : i32
      %dma_wait3A_18 = tpu.memref_slice %arg2[%mul3A_2, %dma_wait3A_17] : memref<2048x1024xf32, #tpu.memory_space<hbm>> -> memref<64x1024xf32, #tpu.memory_space<hbm>>
      %dma_wait3A_19 = arith.constant 0 : i32
      %dma_wait3A_20 = tpu.memref_slice %arg2[%mul3A_2, %dma_wait3A_19] : memref<2048x1024xf32, #tpu.memory_space<hbm>> -> memref<64x1024xf32, #tpu.memory_space<hbm>>
      tpu.wait_dma2 semaphore(%run_scoped3A : memref<!tpu.dma_semaphore, #tpu.memory_space<semaphore_mem>>) src(%dma_wait3A_20 : memref<64x1024xf32, #tpu.memory_space<hbm>>) dst(%arg8 : memref<64x1024xf32, #tpu.memory_space<vmem>>)
      tpu.yield
    }) : () -> ()
    %dma_start3A = arith.constant 0 : i32
    %dma_start3A_3 = arith.constant 0 : i32
    %dma_start3A_4 = tpu.memref_slice %arg5[%dma_start3A, %dma_start3A_3] : memref<6144x1024xf32, #tpu.memory_space<hbm>> -> memref<6144x1024xf32, #tpu.memory_space<hbm>>
    tpu.enqueue_indirect_dma source(%arg8 : memref<64x1024xf32, #tpu.memory_space<vmem>>) target(%dma_start3A_4 : memref<6144x1024xf32, #tpu.memory_space<hbm>>) offsets(%arg6 : memref<64xi32, #tpu.memory_space<vmem>>) semaphore(%arg9 : memref<!tpu.dma_semaphore, #tpu.memory_space<semaphore_mem>>)
    %dma_wait3A = arith.constant 0 : i32
    %dma_wait3A_5 = arith.constant 0 : i32
    %dma_wait3A_6 = tpu.memref_slice %arg5[%dma_wait3A, %dma_wait3A_5] : memref<6144x1024xf32, #tpu.memory_space<hbm>> -> memref<6144x1024xf32, #tpu.memory_space<hbm>>
    tpu.wait_indirect_dma semaphore(%arg9 : memref<!tpu.dma_semaphore, #tpu.memory_space<semaphore_mem>>) src(%arg8 : memref<64x1024xf32, #tpu.memory_space<vmem>>) dst(%dma_wait3A_6 : memref<6144x1024xf32, #tpu.memory_space<hbm>>)
    %dma_start3A_7 = arith.constant 0 : i32
    %dma_start3A_8 = arith.constant 0 : i32
    %dma_start3A_9 = tpu.memref_slice %arg5[%dma_start3A_7, %dma_start3A_8] : memref<6144x1024xf32, #tpu.memory_space<hbm>> -> memref<6144x1024xf32, #tpu.memory_space<hbm>>
    tpu.enqueue_indirect_dma source(%arg8 : memref<64x1024xf32, #tpu.memory_space<vmem>>) target(%dma_start3A_9 : memref<6144x1024xf32, #tpu.memory_space<hbm>>) offsets(%arg7 : memref<64xi32, #tpu.memory_space<vmem>>) semaphore(%arg9 : memref<!tpu.dma_semaphore, #tpu.memory_space<semaphore_mem>>)
    %dma_wait3A_10 = arith.constant 0 : i32
    %dma_wait3A_11 = arith.constant 0 : i32
    %dma_wait3A_12 = tpu.memref_slice %arg5[%dma_wait3A_10, %dma_wait3A_11] : memref<6144x1024xf32, #tpu.memory_space<hbm>> -> memref<6144x1024xf32, #tpu.memory_space<hbm>>
    tpu.wait_indirect_dma semaphore(%arg9 : memref<!tpu.dma_semaphore, #tpu.memory_space<semaphore_mem>>) src(%arg8 : memref<64x1024xf32, #tpu.memory_space<vmem>>) dst(%dma_wait3A_12 : memref<6144x1024xf32, #tpu.memory_space<hbm>>)
    return
  }
}

module attributes {stable_mosaic.version = 14 : i64} {
  func.func @_gating_kernel(%arg0: i32, %arg1: memref<2048x1024xf32, #tpu.memory_space<vmem>>, %arg2: memref<1024x8xf32, #tpu.memory_space<vmem>>, %arg3: memref<1024x2xf32, #tpu.memory_space<vmem>>, %arg4: memref<2048x1xi32, #tpu.memory_space<vmem>>, %arg5: memref<2048x1xi32, #tpu.memory_space<vmem>>, %arg6: memref<2048x1xf32, #tpu.memory_space<vmem>>, %arg7: memref<2048x1xf32, #tpu.memory_space<vmem>>, %arg8: memref<2048x1xf32, #tpu.memory_space<vmem>>, %arg9: memref<1x16xi32, #tpu.memory_space<vmem>>, %arg10: memref<1x24xi32, #tpu.memory_space<vmem>>, %arg11: memref<1x24xi32, #tpu.memory_space<vmem>>) attributes {dimension_semantics = [#tpu.dimension_semantics<arbitrary>], iteration_bounds = array<i64: 1>, scalar_prefetch = 0 : i64, scratch_operands = 0 : i64, tpu.core_type = #tpu.core_type<tc>, window_params = [{pipeline_mode = #tpu.pipeline_mode<synchronous>, transform_indices = @transform_0, window_bounds = array<i64: 2048, 1024>}, {pipeline_mode = #tpu.pipeline_mode<synchronous>, transform_indices = @transform_1, window_bounds = array<i64: 1024, 8>}, {pipeline_mode = #tpu.pipeline_mode<synchronous>, transform_indices = @transform_2, window_bounds = array<i64: 1024, 2>}, {pipeline_mode = #tpu.pipeline_mode<synchronous>, transform_indices = @transform_3, window_bounds = array<i64: 2048, 1>}, {pipeline_mode = #tpu.pipeline_mode<synchronous>, transform_indices = @transform_4, window_bounds = array<i64: 2048, 1>}, {pipeline_mode = #tpu.pipeline_mode<synchronous>, transform_indices = @transform_5, window_bounds = array<i64: 2048, 1>}, {pipeline_mode = #tpu.pipeline_mode<synchronous>, transform_indices = @transform_6, window_bounds = array<i64: 2048, 1>}, {pipeline_mode = #tpu.pipeline_mode<synchronous>, transform_indices = @transform_7, window_bounds = array<i64: 2048, 1>}, {pipeline_mode = #tpu.pipeline_mode<synchronous>, transform_indices = @transform_8, window_bounds = array<i64: 1, 16>}, {pipeline_mode = #tpu.pipeline_mode<synchronous>, transform_indices = @transform_9, window_bounds = array<i64: 1, 24>}, {pipeline_mode = #tpu.pipeline_mode<synchronous>, transform_indices = @transform_10, window_bounds = array<i64: 1, 24>}]} {
    %get3A = arith.constant 0 : index
    %get3A_0 = arith.constant 0 : index
    %get3A_1 = vector.load %arg1[%get3A, %get3A_0] : memref<2048x1024xf32, #tpu.memory_space<vmem>>, vector<2048x1024xf32>
    %get3A_2 = arith.constant 0 : index
    %get3A_3 = arith.constant 0 : index
    %get3A_4 = vector.load %arg2[%get3A_2, %get3A_3] : memref<1024x8xf32, #tpu.memory_space<vmem>>, vector<1024x8xf32>
    %dot_general3A = arith.constant dense<0.000000e+00> : vector<2048x8xf32>
    %dot_general3A_5 = tpu.matmul %get3A_1, %get3A_4, %dot_general3A {dimension_numbers = #tpu.dot_dimension_numbers<[1], [0], [0], [1], [0, 0, 1, 1], [], []>, transpose_lhs_hint = false} : vector<2048x1024xf32>, vector<1024x8xf32>, vector<2048x8xf32> -> vector<2048x8xf32>
    %reduce_max3A = arith.constant dense<0xFF800000> : vector<2048xf32>
    %reduce_max3A_6 = vector.multi_reduction <maximumf>, %dot_general3A_5, %reduce_max3A [1] : vector<2048x8xf32> to vector<2048xf32>
    %max3A = arith.constant 0xFF800000 : f32
    %max3A_7 = vector.broadcast %max3A : f32 to vector<2048xf32>
    %max3A_8 = arith.maximumf %max3A_7, %reduce_max3A_6 : vector<2048xf32>
    %broadcast_in_dim3A = vector.shape_cast %max3A_8 : vector<2048xf32> to vector<2048x1xf32>
    %sub3A = vector.broadcast %broadcast_in_dim3A : vector<2048x1xf32> to vector<2048x8xf32>
    %sub3A_9 = arith.subf %dot_general3A_5, %sub3A : vector<2048x8xf32>
    %exp3A = math.exp %sub3A_9 : vector<2048x8xf32>
    %reduce_sum3A = arith.constant dense<0.000000e+00> : vector<2048xf32>
    %reduce_sum3A_10 = vector.multi_reduction <add>, %exp3A, %reduce_sum3A [1] : vector<2048x8xf32> to vector<2048xf32>
    %broadcast_in_dim3A_11 = vector.shape_cast %reduce_sum3A_10 : vector<2048xf32> to vector<2048x1xf32>
    %div3A = vector.broadcast %broadcast_in_dim3A_11 : vector<2048x1xf32> to vector<2048x8xf32>
    %div3A_12 = arith.divf %exp3A, %div3A : vector<2048x8xf32>
    %iota3A = tpu.iota {dimensions = array<i32: 1>} : vector<2048x8xi32>
    %argmax3A = tpu.reduce_index %div3A_12 {axis = 1 : i32, kind = #tpu.reduction_kind<arg_max>} : vector<2048x8xf32> -> vector<2048xi32>
    %broadcast_in_dim3A_13 = vector.shape_cast %argmax3A : vector<2048xi32> to vector<2048x1xi32>
    %reduce_max3A_14 = arith.constant dense<0xFF800000> : vector<2048xf32>
    %reduce_max3A_15 = vector.multi_reduction <maximumf>, %div3A_12, %reduce_max3A_14 [1] : vector<2048x8xf32> to vector<2048xf32>
    %broadcast_in_dim3A_16 = vector.shape_cast %reduce_max3A_15 : vector<2048xf32> to vector<2048x1xf32>
    %eq3A = vector.broadcast %broadcast_in_dim3A_13 : vector<2048x1xi32> to vector<2048x8xi32>
    %eq3A_17 = arith.cmpi eq, %iota3A, %eq3A : vector<2048x8xi32>
    %jit3A = arith.constant -1.000000e+00 : f32
    %broadcast_in_dim3A_18 = vector.broadcast %jit3A : f32 to vector<2048x8xf32>
    %select_n3A = arith.select %eq3A_17, %broadcast_in_dim3A_18, %div3A_12 : vector<2048x8xi1>, vector<2048x8xf32>
    %argmax3A_19 = tpu.reduce_index %select_n3A {axis = 1 : i32, kind = #tpu.reduction_kind<arg_max>} : vector<2048x8xf32> -> vector<2048xi32>
    %broadcast_in_dim3A_20 = vector.shape_cast %argmax3A_19 : vector<2048xi32> to vector<2048x1xi32>
    %reduce_max3A_21 = arith.constant dense<0xFF800000> : vector<2048xf32>
    %reduce_max3A_22 = vector.multi_reduction <maximumf>, %select_n3A, %reduce_max3A_21 [1] : vector<2048x8xf32> to vector<2048xf32>
    %broadcast_in_dim3A_23 = vector.shape_cast %reduce_max3A_22 : vector<2048xf32> to vector<2048x1xf32>
    %eq3A_24 = vector.broadcast %broadcast_in_dim3A_13 : vector<2048x1xi32> to vector<2048x8xi32>
    %eq3A_25 = arith.cmpi eq, %iota3A, %eq3A_24 : vector<2048x8xi32>
    %convert_element_type3A = arith.extui %eq3A_25 : vector<2048x8xi1> to vector<2048x8xi32>
    %convert_element_type3A_26 = arith.sitofp %convert_element_type3A : vector<2048x8xi32> to vector<2048x8xf32>
    %eq3A_27 = vector.broadcast %broadcast_in_dim3A_20 : vector<2048x1xi32> to vector<2048x8xi32>
    %eq3A_28 = arith.cmpi eq, %iota3A, %eq3A_27 : vector<2048x8xi32>
    %convert_element_type3A_29 = arith.extui %eq3A_28 : vector<2048x8xi1> to vector<2048x8xi32>
    %convert_element_type3A_30 = arith.sitofp %convert_element_type3A_29 : vector<2048x8xi32> to vector<2048x8xf32>
    %add3A = arith.addf %convert_element_type3A_26, %convert_element_type3A_30 : vector<2048x8xf32>
    %iota3A_31 = tpu.iota {dimensions = array<i32: 0>} : vector<2048x8xi32>
    %ge3A = arith.constant 1 : i32
    %ge3A_32 = vector.broadcast %ge3A : i32 to vector<2048x8xi32>
    %ge3A_33 = arith.cmpi sge, %iota3A_31, %ge3A_32 : vector<2048x8xi32>
    %roll3A = arith.constant 1 : i32
    %roll3A_34 = tpu.dynamic_rotate %add3A by %roll3A dim 0 : vector<2048x8xf32>, i32 -> vector<2048x8xf32>
    %jit3A_35 = arith.constant 0.000000e+00 : f32
    %broadcast_in_dim3A_36 = vector.broadcast %jit3A_35 : f32 to vector<2048x8xf32>
    %select_n3A_37 = arith.select %ge3A_33, %roll3A_34, %broadcast_in_dim3A_36 : vector<2048x8xi1>, vector<2048x8xf32>
    %add3A_38 = arith.addf %add3A, %select_n3A_37 : vector<2048x8xf32>
    %ge3A_39 = arith.constant 2 : i32
    %ge3A_40 = vector.broadcast %ge3A_39 : i32 to vector<2048x8xi32>
    %ge3A_41 = arith.cmpi sge, %iota3A_31, %ge3A_40 : vector<2048x8xi32>
    %roll3A_42 = arith.constant 2 : i32
    %roll3A_43 = tpu.dynamic_rotate %add3A_38 by %roll3A_42 dim 0 : vector<2048x8xf32>, i32 -> vector<2048x8xf32>
    %jit3A_44 = arith.constant 0.000000e+00 : f32
    %broadcast_in_dim3A_45 = vector.broadcast %jit3A_44 : f32 to vector<2048x8xf32>
    %select_n3A_46 = arith.select %ge3A_41, %roll3A_43, %broadcast_in_dim3A_45 : vector<2048x8xi1>, vector<2048x8xf32>
    %add3A_47 = arith.addf %add3A_38, %select_n3A_46 : vector<2048x8xf32>
    %ge3A_48 = arith.constant 4 : i32
    %ge3A_49 = vector.broadcast %ge3A_48 : i32 to vector<2048x8xi32>
    %ge3A_50 = arith.cmpi sge, %iota3A_31, %ge3A_49 : vector<2048x8xi32>
    %roll3A_51 = arith.constant 4 : i32
    %roll3A_52 = tpu.dynamic_rotate %add3A_47 by %roll3A_51 dim 0 : vector<2048x8xf32>, i32 -> vector<2048x8xf32>
    %jit3A_53 = arith.constant 0.000000e+00 : f32
    %broadcast_in_dim3A_54 = vector.broadcast %jit3A_53 : f32 to vector<2048x8xf32>
    %select_n3A_55 = arith.select %ge3A_50, %roll3A_52, %broadcast_in_dim3A_54 : vector<2048x8xi1>, vector<2048x8xf32>
    %add3A_56 = arith.addf %add3A_47, %select_n3A_55 : vector<2048x8xf32>
    %ge3A_57 = arith.constant 8 : i32
    %ge3A_58 = vector.broadcast %ge3A_57 : i32 to vector<2048x8xi32>
    %ge3A_59 = arith.cmpi sge, %iota3A_31, %ge3A_58 : vector<2048x8xi32>
    %roll3A_60 = arith.constant 8 : i32
    %roll3A_61 = tpu.dynamic_rotate %add3A_56 by %roll3A_60 dim 0 : vector<2048x8xf32>, i32 -> vector<2048x8xf32>
    %jit3A_62 = arith.constant 0.000000e+00 : f32
    %broadcast_in_dim3A_63 = vector.broadcast %jit3A_62 : f32 to vector<2048x8xf32>
    %select_n3A_64 = arith.select %ge3A_59, %roll3A_61, %broadcast_in_dim3A_63 : vector<2048x8xi1>, vector<2048x8xf32>
    %add3A_65 = arith.addf %add3A_56, %select_n3A_64 : vector<2048x8xf32>
    %ge3A_66 = arith.constant 16 : i32
    %ge3A_67 = vector.broadcast %ge3A_66 : i32 to vector<2048x8xi32>
    %ge3A_68 = arith.cmpi sge, %iota3A_31, %ge3A_67 : vector<2048x8xi32>
    %roll3A_69 = arith.constant 16 : i32
    %roll3A_70 = tpu.dynamic_rotate %add3A_65 by %roll3A_69 dim 0 : vector<2048x8xf32>, i32 -> vector<2048x8xf32>
    %jit3A_71 = arith.constant 0.000000e+00 : f32
    %broadcast_in_dim3A_72 = vector.broadcast %jit3A_71 : f32 to vector<2048x8xf32>
    %select_n3A_73 = arith.select %ge3A_68, %roll3A_70, %broadcast_in_dim3A_72 : vector<2048x8xi1>, vector<2048x8xf32>
    %add3A_74 = arith.addf %add3A_65, %select_n3A_73 : vector<2048x8xf32>
    %ge3A_75 = arith.constant 32 : i32
    %ge3A_76 = vector.broadcast %ge3A_75 : i32 to vector<2048x8xi32>
    %ge3A_77 = arith.cmpi sge, %iota3A_31, %ge3A_76 : vector<2048x8xi32>
    %roll3A_78 = arith.constant 32 : i32
    %roll3A_79 = tpu.dynamic_rotate %add3A_74 by %roll3A_78 dim 0 : vector<2048x8xf32>, i32 -> vector<2048x8xf32>
    %jit3A_80 = arith.constant 0.000000e+00 : f32
    %broadcast_in_dim3A_81 = vector.broadcast %jit3A_80 : f32 to vector<2048x8xf32>
    %select_n3A_82 = arith.select %ge3A_77, %roll3A_79, %broadcast_in_dim3A_81 : vector<2048x8xi1>, vector<2048x8xf32>
    %add3A_83 = arith.addf %add3A_74, %select_n3A_82 : vector<2048x8xf32>
    %ge3A_84 = arith.constant 64 : i32
    %ge3A_85 = vector.broadcast %ge3A_84 : i32 to vector<2048x8xi32>
    %ge3A_86 = arith.cmpi sge, %iota3A_31, %ge3A_85 : vector<2048x8xi32>
    %roll3A_87 = arith.constant 64 : i32
    %roll3A_88 = tpu.dynamic_rotate %add3A_83 by %roll3A_87 dim 0 : vector<2048x8xf32>, i32 -> vector<2048x8xf32>
    %jit3A_89 = arith.constant 0.000000e+00 : f32
    %broadcast_in_dim3A_90 = vector.broadcast %jit3A_89 : f32 to vector<2048x8xf32>
    %select_n3A_91 = arith.select %ge3A_86, %roll3A_88, %broadcast_in_dim3A_90 : vector<2048x8xi1>, vector<2048x8xf32>
    %add3A_92 = arith.addf %add3A_83, %select_n3A_91 : vector<2048x8xf32>
    %ge3A_93 = arith.constant 128 : i32
    %ge3A_94 = vector.broadcast %ge3A_93 : i32 to vector<2048x8xi32>
    %ge3A_95 = arith.cmpi sge, %iota3A_31, %ge3A_94 : vector<2048x8xi32>
    %roll3A_96 = arith.constant 128 : i32
    %roll3A_97 = tpu.dynamic_rotate %add3A_92 by %roll3A_96 dim 0 : vector<2048x8xf32>, i32 -> vector<2048x8xf32>
    %jit3A_98 = arith.constant 0.000000e+00 : f32
    %broadcast_in_dim3A_99 = vector.broadcast %jit3A_98 : f32 to vector<2048x8xf32>
    %select_n3A_100 = arith.select %ge3A_95, %roll3A_97, %broadcast_in_dim3A_99 : vector<2048x8xi1>, vector<2048x8xf32>
    %add3A_101 = arith.addf %add3A_92, %select_n3A_100 : vector<2048x8xf32>
    %ge3A_102 = arith.constant 256 : i32
    %ge3A_103 = vector.broadcast %ge3A_102 : i32 to vector<2048x8xi32>
    %ge3A_104 = arith.cmpi sge, %iota3A_31, %ge3A_103 : vector<2048x8xi32>
    %roll3A_105 = arith.constant 256 : i32
    %roll3A_106 = tpu.dynamic_rotate %add3A_101 by %roll3A_105 dim 0 : vector<2048x8xf32>, i32 -> vector<2048x8xf32>
    %jit3A_107 = arith.constant 0.000000e+00 : f32
    %broadcast_in_dim3A_108 = vector.broadcast %jit3A_107 : f32 to vector<2048x8xf32>
    %select_n3A_109 = arith.select %ge3A_104, %roll3A_106, %broadcast_in_dim3A_108 : vector<2048x8xi1>, vector<2048x8xf32>
    %add3A_110 = arith.addf %add3A_101, %select_n3A_109 : vector<2048x8xf32>
    %ge3A_111 = arith.constant 512 : i32
    %ge3A_112 = vector.broadcast %ge3A_111 : i32 to vector<2048x8xi32>
    %ge3A_113 = arith.cmpi sge, %iota3A_31, %ge3A_112 : vector<2048x8xi32>
    %roll3A_114 = arith.constant 512 : i32
    %roll3A_115 = tpu.dynamic_rotate %add3A_110 by %roll3A_114 dim 0 : vector<2048x8xf32>, i32 -> vector<2048x8xf32>
    %jit3A_116 = arith.constant 0.000000e+00 : f32
    %broadcast_in_dim3A_117 = vector.broadcast %jit3A_116 : f32 to vector<2048x8xf32>
    %select_n3A_118 = arith.select %ge3A_113, %roll3A_115, %broadcast_in_dim3A_117 : vector<2048x8xi1>, vector<2048x8xf32>
    %add3A_119 = arith.addf %add3A_110, %select_n3A_118 : vector<2048x8xf32>
    %ge3A_120 = arith.constant 1024 : i32
    %ge3A_121 = vector.broadcast %ge3A_120 : i32 to vector<2048x8xi32>
    %ge3A_122 = arith.cmpi sge, %iota3A_31, %ge3A_121 : vector<2048x8xi32>
    %roll3A_123 = arith.constant 1024 : i32
    %roll3A_124 = tpu.dynamic_rotate %add3A_119 by %roll3A_123 dim 0 : vector<2048x8xf32>, i32 -> vector<2048x8xf32>
    %jit3A_125 = arith.constant 0.000000e+00 : f32
    %broadcast_in_dim3A_126 = vector.broadcast %jit3A_125 : f32 to vector<2048x8xf32>
    %select_n3A_127 = arith.select %ge3A_122, %roll3A_124, %broadcast_in_dim3A_126 : vector<2048x8xi1>, vector<2048x8xf32>
    %add3A_128 = arith.addf %add3A_119, %select_n3A_127 : vector<2048x8xf32>
    %sub3A_129 = arith.subf %add3A_128, %add3A : vector<2048x8xf32>
    %slice3A = vector.extract_strided_slice %add3A_128 {offsets = [2047, 0], sizes = [1, 8], strides = [1, 1]} : vector<2048x8xf32> to vector<1x8xf32>
    %add3A_130 = arith.constant 2.550000e+02 : f32
    %add3A_131 = vector.broadcast %add3A_130 : f32 to vector<1x8xf32>
    %add3A_132 = arith.addf %slice3A, %add3A_131 : vector<1x8xf32>
    %mul3A = arith.constant 3.906250e-03 : f32
    %mul3A_133 = vector.broadcast %mul3A : f32 to vector<1x8xf32>
    %mul3A_134 = arith.mulf %add3A_132, %mul3A_133 : vector<1x8xf32>
    %floor3A = math.floor %mul3A_134 : vector<1x8xf32>
    %mul3A_135 = arith.constant 2.560000e+02 : f32
    %mul3A_136 = vector.broadcast %mul3A_135 : f32 to vector<1x8xf32>
    %mul3A_137 = arith.mulf %floor3A, %mul3A_136 : vector<1x8xf32>
    %lt3A = vector.broadcast %broadcast_in_dim3A_13 : vector<2048x1xi32> to vector<2048x8xi32>
    %lt3A_138 = arith.cmpi slt, %iota3A, %lt3A : vector<2048x8xi32>
    %jit3A_139 = arith.constant 0.000000e+00 : f32
    %broadcast_in_dim3A_140 = vector.shape_cast %mul3A_137 : vector<1x8xf32> to vector<1x8xf32>
    %broadcast_in_dim3A_141 = vector.broadcast %broadcast_in_dim3A_140 : vector<1x8xf32> to vector<2048x8xf32>
    %broadcast_in_dim3A_142 = vector.broadcast %jit3A_139 : f32 to vector<2048x8xf32>
    %select_n3A_143 = arith.select %lt3A_138, %broadcast_in_dim3A_141, %broadcast_in_dim3A_142 : vector<2048x8xi1>, vector<2048x8xf32>
    %reduce_sum3A_144 = arith.constant dense<0.000000e+00> : vector<2048xf32>
    %reduce_sum3A_145 = vector.multi_reduction <add>, %select_n3A_143, %reduce_sum3A_144 [1] : vector<2048x8xf32> to vector<2048xf32>
    %broadcast_in_dim3A_146 = vector.shape_cast %reduce_sum3A_145 : vector<2048xf32> to vector<2048x1xf32>
    %lt3A_147 = vector.broadcast %broadcast_in_dim3A_20 : vector<2048x1xi32> to vector<2048x8xi32>
    %lt3A_148 = arith.cmpi slt, %iota3A, %lt3A_147 : vector<2048x8xi32>
    %jit3A_149 = arith.constant 0.000000e+00 : f32
    %broadcast_in_dim3A_150 = vector.shape_cast %mul3A_137 : vector<1x8xf32> to vector<1x8xf32>
    %broadcast_in_dim3A_151 = vector.broadcast %broadcast_in_dim3A_150 : vector<1x8xf32> to vector<2048x8xf32>
    %broadcast_in_dim3A_152 = vector.broadcast %jit3A_149 : f32 to vector<2048x8xf32>
    %select_n3A_153 = arith.select %lt3A_148, %broadcast_in_dim3A_151, %broadcast_in_dim3A_152 : vector<2048x8xi1>, vector<2048x8xf32>
    %reduce_sum3A_154 = arith.constant dense<0.000000e+00> : vector<2048xf32>
    %reduce_sum3A_155 = vector.multi_reduction <add>, %select_n3A_153, %reduce_sum3A_154 [1] : vector<2048x8xf32> to vector<2048xf32>
    %broadcast_in_dim3A_156 = vector.shape_cast %reduce_sum3A_155 : vector<2048xf32> to vector<2048x1xf32>
    %mul3A_157 = arith.mulf %convert_element_type3A_26, %sub3A_129 : vector<2048x8xf32>
    %reduce_sum3A_158 = arith.constant dense<0.000000e+00> : vector<2048xf32>
    %reduce_sum3A_159 = vector.multi_reduction <add>, %mul3A_157, %reduce_sum3A_158 [1] : vector<2048x8xf32> to vector<2048xf32>
    %broadcast_in_dim3A_160 = vector.shape_cast %reduce_sum3A_159 : vector<2048xf32> to vector<2048x1xf32>
    %mul3A_161 = arith.mulf %convert_element_type3A_30, %sub3A_129 : vector<2048x8xf32>
    %reduce_sum3A_162 = arith.constant dense<0.000000e+00> : vector<2048xf32>
    %reduce_sum3A_163 = vector.multi_reduction <add>, %mul3A_161, %reduce_sum3A_162 [1] : vector<2048x8xf32> to vector<2048xf32>
    %broadcast_in_dim3A_164 = vector.shape_cast %reduce_sum3A_163 : vector<2048xf32> to vector<2048x1xf32>
    %add3A_165 = arith.addf %broadcast_in_dim3A_146, %broadcast_in_dim3A_160 : vector<2048x1xf32>
    %add3A_166 = arith.addf %broadcast_in_dim3A_156, %broadcast_in_dim3A_164 : vector<2048x1xf32>
    %convert_element_type3A_167 = arith.fptosi %add3A_165 : vector<2048x1xf32> to vector<2048x1xi32>
    %swap3A = arith.constant 0 : index
    %swap3A_168 = arith.constant 0 : index
    %swap3A_169 = vector.load %arg4[%swap3A, %swap3A_168] : memref<2048x1xi32, #tpu.memory_space<vmem>>, vector<2048x1xi32>
    tpu.vector_store %arg4[%swap3A, %swap3A_168], %convert_element_type3A_167 {strides = array<i32>} : memref<2048x1xi32, #tpu.memory_space<vmem>>, vector<2048x1xi32>,
    %convert_element_type3A_170 = arith.fptosi %add3A_166 : vector<2048x1xf32> to vector<2048x1xi32>
    %swap3A_171 = arith.constant 0 : index
    %swap3A_172 = arith.constant 0 : index
    %swap3A_173 = vector.load %arg5[%swap3A_171, %swap3A_172] : memref<2048x1xi32, #tpu.memory_space<vmem>>, vector<2048x1xi32>
    tpu.vector_store %arg5[%swap3A_171, %swap3A_172], %convert_element_type3A_170 {strides = array<i32>} : memref<2048x1xi32, #tpu.memory_space<vmem>>, vector<2048x1xi32>,
    %get3A_174 = arith.constant 0 : index
    %get3A_175 = arith.constant 0 : index
    %get3A_176 = vector.load %arg3[%get3A_174, %get3A_175] : memref<1024x2xf32, #tpu.memory_space<vmem>>, vector<1024x2xf32>
    %dot_general3A_177 = arith.constant dense<0.000000e+00> : vector<2048x2xf32>
    %dot_general3A_178 = tpu.matmul %get3A_1, %get3A_176, %dot_general3A_177 {dimension_numbers = #tpu.dot_dimension_numbers<[1], [0], [0], [1], [0, 0, 1, 1], [], []>, transpose_lhs_hint = false} : vector<2048x1024xf32>, vector<1024x2xf32>, vector<2048x2xf32> -> vector<2048x2xf32>
    %reduce_max3A_179 = arith.constant dense<0xFF800000> : vector<2048xf32>
    %reduce_max3A_180 = vector.multi_reduction <maximumf>, %dot_general3A_178, %reduce_max3A_179 [1] : vector<2048x2xf32> to vector<2048xf32>
    %max3A_181 = arith.constant 0xFF800000 : f32
    %max3A_182 = vector.broadcast %max3A_181 : f32 to vector<2048xf32>
    %max3A_183 = arith.maximumf %max3A_182, %reduce_max3A_180 : vector<2048xf32>
    %broadcast_in_dim3A_184 = vector.shape_cast %max3A_183 : vector<2048xf32> to vector<2048x1xf32>
    %sub3A_185 = vector.broadcast %broadcast_in_dim3A_184 : vector<2048x1xf32> to vector<2048x2xf32>
    %sub3A_186 = arith.subf %dot_general3A_178, %sub3A_185 : vector<2048x2xf32>
    %exp3A_187 = math.exp %sub3A_186 : vector<2048x2xf32>
    %reduce_sum3A_188 = arith.constant dense<0.000000e+00> : vector<2048xf32>
    %reduce_sum3A_189 = vector.multi_reduction <add>, %exp3A_187, %reduce_sum3A_188 [1] : vector<2048x2xf32> to vector<2048xf32>
    %broadcast_in_dim3A_190 = vector.shape_cast %reduce_sum3A_189 : vector<2048xf32> to vector<2048x1xf32>
    %div3A_191 = vector.broadcast %broadcast_in_dim3A_190 : vector<2048x1xf32> to vector<2048x2xf32>
    %div3A_192 = arith.divf %exp3A_187, %div3A_191 : vector<2048x2xf32>
    %slice3A_193 = vector.extract_strided_slice %div3A_192 {offsets = [0, 0], sizes = [2048, 1], strides = [1, 1]} : vector<2048x2xf32> to vector<2048x1xf32>
    %mul3A_194 = arith.mulf %slice3A_193, %broadcast_in_dim3A_16 : vector<2048x1xf32>
    %swap3A_195 = arith.constant 0 : index
    %swap3A_196 = arith.constant 0 : index
    %swap3A_197 = vector.load %arg6[%swap3A_195, %swap3A_196] : memref<2048x1xf32, #tpu.memory_space<vmem>>, vector<2048x1xf32>
    tpu.vector_store %arg6[%swap3A_195, %swap3A_196], %mul3A_194 {strides = array<i32>} : memref<2048x1xf32, #tpu.memory_space<vmem>>, vector<2048x1xf32>,
    %mul3A_198 = arith.mulf %slice3A_193, %broadcast_in_dim3A_23 : vector<2048x1xf32>
    %swap3A_199 = arith.constant 0 : index
    %swap3A_200 = arith.constant 0 : index
    %swap3A_201 = vector.load %arg7[%swap3A_199, %swap3A_200] : memref<2048x1xf32, #tpu.memory_space<vmem>>, vector<2048x1xf32>
    tpu.vector_store %arg7[%swap3A_199, %swap3A_200], %mul3A_198 {strides = array<i32>} : memref<2048x1xf32, #tpu.memory_space<vmem>>, vector<2048x1xf32>,
    %slice3A_202 = vector.extract_strided_slice %div3A_192 {offsets = [0, 1], sizes = [2048, 1], strides = [1, 1]} : vector<2048x2xf32> to vector<2048x1xf32>
    %swap3A_203 = arith.constant 0 : index
    %swap3A_204 = arith.constant 0 : index
    %swap3A_205 = vector.load %arg8[%swap3A_203, %swap3A_204] : memref<2048x1xf32, #tpu.memory_space<vmem>>, vector<2048x1xf32>
    tpu.vector_store %arg8[%swap3A_203, %swap3A_204], %slice3A_202 {strides = array<i32>} : memref<2048x1xf32, #tpu.memory_space<vmem>>, vector<2048x1xf32>,
    %iota3A_206 = tpu.iota {dimensions = array<i32: 0>} : vector<8x8xi32>
    %iota3A_207 = tpu.iota {dimensions = array<i32: 1>} : vector<8x8xi32>
    %broadcast_in_dim3A_208 = vector.shape_cast %mul3A_137 : vector<1x8xf32> to vector<1x8xf32>
    %broadcast_in_dim3A_209 = vector.broadcast %broadcast_in_dim3A_208 : vector<1x8xf32> to vector<8x8xf32>
    %le3A = arith.cmpi sle, %iota3A_207, %iota3A_206 : vector<8x8xi32>
    %jit3A_210 = arith.constant 0.000000e+00 : f32
    %broadcast_in_dim3A_211 = vector.broadcast %jit3A_210 : f32 to vector<8x8xf32>
    %select_n3A_212 = arith.select %le3A, %broadcast_in_dim3A_209, %broadcast_in_dim3A_211 : vector<8x8xi1>, vector<8x8xf32>
    %reduce_sum3A_213 = arith.constant dense<0.000000e+00> : vector<8xf32>
    %reduce_sum3A_214 = vector.multi_reduction <add>, %select_n3A_212, %reduce_sum3A_213 [1] : vector<8x8xf32> to vector<8xf32>
    %broadcast_in_dim3A_215 = vector.shape_cast %reduce_sum3A_214 : vector<8xf32> to vector<8x1xf32>
    %slice3A_216 = vector.extract_strided_slice %broadcast_in_dim3A_215 {offsets = [7, 0], sizes = [1, 1], strides = [1, 1]} : vector<8x1xf32> to vector<1x1xf32>
    %iota3A_217 = tpu.iota {dimensions = array<i32: 1>} : vector<8x24xi32>
    %mul3A_218 = arith.constant 256 : i32
    %mul3A_219 = vector.broadcast %mul3A_218 : i32 to vector<8x24xi32>
    %mul3A_220 = arith.muli %iota3A_217, %mul3A_219 : vector<8x24xi32>
    %convert_element_type3A_221 = arith.sitofp %mul3A_220 : vector<8x24xi32> to vector<8x24xf32>
    %broadcast_in_dim3A_222 = vector.shape_cast %broadcast_in_dim3A_215 : vector<8x1xf32> to vector<8x1xf32>
    %broadcast_in_dim3A_223 = vector.broadcast %broadcast_in_dim3A_222 : vector<8x1xf32> to vector<8x24xf32>
    %le3A_224 = arith.cmpf ole, %broadcast_in_dim3A_223, %convert_element_type3A_221 : vector<8x24xf32>
    %convert_element_type3A_225 = arith.extui %le3A_224 : vector<8x24xi1> to vector<8x24xi32>
    %convert_element_type3A_226 = arith.sitofp %convert_element_type3A_225 : vector<8x24xi32> to vector<8x24xf32>
    %reduce_sum3A_227 = arith.constant dense<0.000000e+00> : vector<24xf32>
    %reduce_sum3A_228 = vector.multi_reduction <add>, %convert_element_type3A_226, %reduce_sum3A_227 [0] : vector<8x24xf32> to vector<24xf32>
    %broadcast_in_dim3A_229 = vector.shape_cast %reduce_sum3A_228 : vector<24xf32> to vector<1x24xf32>
    %min3A = arith.constant 7.000000e+00 : f32
    %min3A_230 = vector.broadcast %min3A : f32 to vector<1x24xf32>
    %min3A_231 = arith.minimumf %broadcast_in_dim3A_229, %min3A_230 : vector<1x24xf32>
    %slice3A_232 = vector.extract_strided_slice %convert_element_type3A_221 {offsets = [0, 0], sizes = [1, 24], strides = [1, 1]} : vector<8x24xf32> to vector<1x24xf32>
    %lt3A_233 = vector.broadcast %slice3A_216 : vector<1x1xf32> to vector<1x24xf32>
    %lt3A_234 = arith.cmpf olt, %slice3A_232, %lt3A_233 : vector<1x24xf32>
    %convert_element_type3A_235 = arith.extui %lt3A_234 : vector<1x24xi1> to vector<1x24xi32>
    %convert_element_type3A_236 = arith.sitofp %convert_element_type3A_235 : vector<1x24xi32> to vector<1x24xf32>
    %convert_element_type3A_237 = arith.fptosi %min3A_231 : vector<1x24xf32> to vector<1x24xi32>
    %swap3A_238 = arith.constant 0 : index
    %swap3A_239 = arith.constant 0 : index
    %swap3A_240 = vector.load %arg10[%swap3A_238, %swap3A_239] : memref<1x24xi32, #tpu.memory_space<vmem>>, vector<1x24xi32>
    tpu.vector_store %arg10[%swap3A_238, %swap3A_239], %convert_element_type3A_237 {strides = array<i32>} : memref<1x24xi32, #tpu.memory_space<vmem>>, vector<1x24xi32>,
    %convert_element_type3A_241 = arith.fptosi %convert_element_type3A_236 : vector<1x24xf32> to vector<1x24xi32>
    %swap3A_242 = arith.constant 0 : index
    %swap3A_243 = arith.constant 0 : index
    %swap3A_244 = vector.load %arg11[%swap3A_242, %swap3A_243] : memref<1x24xi32, #tpu.memory_space<vmem>>, vector<1x24xi32>
    tpu.vector_store %arg11[%swap3A_242, %swap3A_243], %convert_element_type3A_241 {strides = array<i32>} : memref<1x24xi32, #tpu.memory_space<vmem>>, vector<1x24xi32>,
    %mul3A_245 = arith.constant 3.906250e-03 : f32
    %mul3A_246 = vector.broadcast %mul3A_245 : f32 to vector<1x1xf32>
    %mul3A_247 = arith.mulf %slice3A_216, %mul3A_246 : vector<1x1xf32>
    %slice3A_248 = vector.extract_strided_slice %mul3A_137 {offsets = [0, 0], sizes = [1, 7], strides = [1, 1]} : vector<1x8xf32> to vector<1x7xf32>
    %mul3A_249 = arith.constant 0.000000e+00 : f32
    %mul3A_250 = vector.broadcast %mul3A_249 : f32 to vector<1x7xf32>
    %mul3A_251 = arith.mulf %slice3A_248, %mul3A_250 : vector<1x7xf32>
    %concatenate3A = tpu.concatenate %mul3A_137, %mul3A_247, %mul3A_251 in 1 : vector<1x8xf32>, vector<1x1xf32>, vector<1x7xf32> -> vector<1x16xf32>
    %convert_element_type3A_252 = arith.fptosi %concatenate3A : vector<1x16xf32> to vector<1x16xi32>
    %swap3A_253 = arith.constant 0 : index
    %swap3A_254 = arith.constant 0 : index
    %swap3A_255 = vector.load %arg9[%swap3A_253, %swap3A_254] : memref<1x16xi32, #tpu.memory_space<vmem>>, vector<1x16xi32>
    tpu.vector_store %arg9[%swap3A_253, %swap3A_254], %convert_element_type3A_252 {strides = array<i32>} : memref<1x16xi32, #tpu.memory_space<vmem>>, vector<1x16xi32>,
    return
  }
  func.func @transform_0(%arg0: i32) -> (i32, i32) {
    %c0_i32 = arith.constant 0 : i32
    %c0_i32_0 = arith.constant 0 : i32
    %c0_i32_1 = arith.constant 0 : i32
    return %c0_i32, %c0_i32_0 : i32, i32
  }
  func.func @transform_1(%arg0: i32) -> (i32, i32) {
    %c0_i32 = arith.constant 0 : i32
    %c0_i32_0 = arith.constant 0 : i32
    %c0_i32_1 = arith.constant 0 : i32
    return %c0_i32, %c0_i32_0 : i32, i32
  }
  func.func @transform_2(%arg0: i32) -> (i32, i32) {
    %c0_i32 = arith.constant 0 : i32
    %c0_i32_0 = arith.constant 0 : i32
    %c0_i32_1 = arith.constant 0 : i32
    return %c0_i32, %c0_i32_0 : i32, i32
  }
  func.func @transform_3(%arg0: i32) -> (i32, i32) {
    %c0_i32 = arith.constant 0 : i32
    %c0_i32_0 = arith.constant 0 : i32
    %c0_i32_1 = arith.constant 0 : i32
    return %c0_i32, %c0_i32_0 : i32, i32
  }
  func.func @transform_4(%arg0: i32) -> (i32, i32) {
    %c0_i32 = arith.constant 0 : i32
    %c0_i32_0 = arith.constant 0 : i32
    %c0_i32_1 = arith.constant 0 : i32
    return %c0_i32, %c0_i32_0 : i32, i32
  }
  func.func @transform_5(%arg0: i32) -> (i32, i32) {
    %c0_i32 = arith.constant 0 : i32
    %c0_i32_0 = arith.constant 0 : i32
    %c0_i32_1 = arith.constant 0 : i32
    return %c0_i32, %c0_i32_0 : i32, i32
  }
  func.func @transform_6(%arg0: i32) -> (i32, i32) {
    %c0_i32 = arith.constant 0 : i32
    %c0_i32_0 = arith.constant 0 : i32
    %c0_i32_1 = arith.constant 0 : i32
    return %c0_i32, %c0_i32_0 : i32, i32
  }
  func.func @transform_7(%arg0: i32) -> (i32, i32) {
    %c0_i32 = arith.constant 0 : i32
    %c0_i32_0 = arith.constant 0 : i32
    %c0_i32_1 = arith.constant 0 : i32
    return %c0_i32, %c0_i32_0 : i32, i32
  }
  func.func @transform_8(%arg0: i32) -> (i32, i32) {
    %c0_i32 = arith.constant 0 : i32
    %c0_i32_0 = arith.constant 0 : i32
    %c0_i32_1 = arith.constant 0 : i32
    return %c0_i32, %c0_i32_0 : i32, i32
  }
  func.func @transform_9(%arg0: i32) -> (i32, i32) {
    %c0_i32 = arith.constant 0 : i32
    %c0_i32_0 = arith.constant 0 : i32
    %c0_i32_1 = arith.constant 0 : i32
    return %c0_i32, %c0_i32_0 : i32, i32
  }
  func.func @transform_10(%arg0: i32) -> (i32, i32) {
    %c0_i32 = arith.constant 0 : i32
    %c0_i32_0 = arith.constant 0 : i32
    %c0_i32_1 = arith.constant 0 : i32
    return %c0_i32, %c0_i32_0 : i32, i32
  }
}

module attributes {stable_mosaic.version = 14 : i64} {
  func.func @_gmm_kernel(%arg0: i32, %arg1: memref<24xi32, #tpu.memory_space<smem>>, %arg2: memref<24xi32, #tpu.memory_space<smem>>, %arg3: memref<1xi32, #tpu.memory_space<smem>>, %arg4: memref<256x1024xf32, #tpu.memory_space<vmem>>, %arg5: memref<1x1024x1024xf32, #tpu.memory_space<vmem>>, %arg6: memref<8x1024xf32, #tpu.memory_space<vmem>>, %arg7: memref<256x1024xf32, #tpu.memory_space<vmem>>) attributes {dimension_semantics = [#tpu.dimension_semantics<arbitrary>], iteration_bounds = array<i64: 24>, scalar_prefetch = 3 : i64, scratch_operands = 0 : i64, tpu.core_type = #tpu.core_type<tc>, window_params = [{transform_indices = @transform_0, window_bounds = array<i64: 256, 1024>}, {transform_indices = @transform_1, window_bounds = array<i64: 1, 1024, 1024>}, {pipeline_mode = #tpu.pipeline_mode<synchronous>, transform_indices = @transform_2, window_bounds = array<i64: 8, 1024>}, {transform_indices = @transform_3, window_bounds = array<i64: 256, 1024>}]} {
    %get3A = arith.index_cast %arg0 : i32 to index
    %get3A_0 = memref.load %arg1[%get3A] : memref<24xi32, #tpu.memory_space<smem>>
    %get3A_1 = arith.index_cast %arg0 : i32 to index
    %get3A_2 = memref.load %arg2[%get3A_1] : memref<24xi32, #tpu.memory_space<smem>>
    %eq3A = arith.constant 1 : i32
    %eq3A_3 = arith.cmpi eq, %get3A_2, %eq3A : i32
    %convert_element_type3A = arith.extui %eq3A_3 : i1 to i32
    %cond3A = arith.constant 0 : i32
    %cond3A_4 = arith.cmpi ne, %convert_element_type3A, %cond3A : i32
    scf.if %cond3A_4 {
      %iota3A = tpu.iota {dimensions = array<i32: 0>} : vector<8x1xi32>
      %eq3A_5 = vector.broadcast %get3A_0 : i32 to vector<8x1xi32>
      %eq3A_6 = arith.cmpi eq, %iota3A, %eq3A_5 : vector<8x1xi32>
      %get3A_7 = arith.constant 0 : index
      %get3A_8 = arith.constant 0 : index
      %get3A_9 = vector.load %arg6[%get3A_7, %get3A_8] : memref<8x1024xf32, #tpu.memory_space<vmem>>, vector<8x1024xf32>
      %jit3A = arith.constant 0.000000e+00 : f32
      %broadcast_in_dim3A = vector.shape_cast %eq3A_6 : vector<8x1xi1> to vector<8x1xi1>
      %broadcast_in_dim3A_10 = vector.broadcast %broadcast_in_dim3A : vector<8x1xi1> to vector<8x1024xi1>
      %broadcast_in_dim3A_11 = vector.broadcast %jit3A : f32 to vector<8x1024xf32>
      %select_n3A = arith.select %broadcast_in_dim3A_10, %get3A_9, %broadcast_in_dim3A_11 : vector<8x1024xi1>, vector<8x1024xf32>
      %reduce_sum3A = arith.constant dense<0.000000e+00> : vector<1024xf32>
      %reduce_sum3A_12 = vector.multi_reduction <add>, %select_n3A, %reduce_sum3A [0] : vector<8x1024xf32> to vector<1024xf32>
      %broadcast_in_dim3A_13 = vector.shape_cast %reduce_sum3A_12 : vector<1024xf32> to vector<1x1024xf32>
      %get3A_14 = arith.constant 0 : index
      %get3A_15 = arith.constant 0 : index
      %get3A_16 = vector.load %arg4[%get3A_14, %get3A_15] : memref<256x1024xf32, #tpu.memory_space<vmem>>, vector<256x1024xf32>
      %get3A_17 = arith.constant 0 : index
      %get3A_18 = arith.constant 0 : index
      %get3A_19 = arith.constant 0 : index
      %get3A_20 = vector.load %arg5[%get3A_17, %get3A_18, %get3A_19] : memref<1x1024x1024xf32, #tpu.memory_space<vmem>>, vector<1x1024x1024xf32>
      %get3A_21 = vector.shape_cast %get3A_20 : vector<1x1024x1024xf32> to vector<1024x1024xf32>
      %dot_general3A = arith.constant dense<0.000000e+00> : vector<256x1024xf32>
      %dot_general3A_22 = tpu.matmul %get3A_16, %get3A_21, %dot_general3A {dimension_numbers = #tpu.dot_dimension_numbers<[1], [0], [0], [1], [0, 0, 1, 1], [], []>, transpose_lhs_hint = false} : vector<256x1024xf32>, vector<1024x1024xf32>, vector<256x1024xf32> -> vector<256x1024xf32>
      %add3A = vector.broadcast %broadcast_in_dim3A_13 : vector<1x1024xf32> to vector<256x1024xf32>
      %add3A_23 = arith.addf %dot_general3A_22, %add3A : vector<256x1024xf32>
      %swap3A = arith.constant 0 : index
      %swap3A_24 = arith.constant 0 : index
      %swap3A_25 = vector.load %arg7[%swap3A, %swap3A_24] : memref<256x1024xf32, #tpu.memory_space<vmem>>, vector<256x1024xf32>
      tpu.vector_store %arg7[%swap3A, %swap3A_24], %add3A_23 {strides = array<i32>} : memref<256x1024xf32, #tpu.memory_space<vmem>>, vector<256x1024xf32>,
    } else {
    }
    return
  }
  func.func @transform_0(%arg0: i32, %arg1: memref<24xi32, #tpu.memory_space<smem>>, %arg2: memref<24xi32, #tpu.memory_space<smem>>, %arg3: memref<1xi32, #tpu.memory_space<smem>>) -> (i32, i32) {
    %get3A = arith.constant 0 : index
    %get3A_0 = memref.load %arg3[%get3A] : memref<1xi32, #tpu.memory_space<smem>>
    %sub3A = arith.constant 1 : i32
    %sub3A_1 = arith.subi %get3A_0, %sub3A : i32
    %min3A = arith.minsi %arg0, %sub3A_1 : i32
    %c0_i32 = arith.constant 0 : i32
    %c0_i32_2 = arith.constant 0 : i32
    return %min3A, %c0_i32 : i32, i32
  }
  func.func @transform_1(%arg0: i32, %arg1: memref<24xi32, #tpu.memory_space<smem>>, %arg2: memref<24xi32, #tpu.memory_space<smem>>, %arg3: memref<1xi32, #tpu.memory_space<smem>>) -> (i32, i32, i32) {
    %get3A = arith.index_cast %arg0 : i32 to index
    %get3A_0 = memref.load %arg1[%get3A] : memref<24xi32, #tpu.memory_space<smem>>
    %c0_i32 = arith.constant 0 : i32
    %c0_i32_1 = arith.constant 0 : i32
    %c0_i32_2 = arith.constant 0 : i32
    return %get3A_0, %c0_i32, %c0_i32_1 : i32, i32, i32
  }
  func.func @transform_2(%arg0: i32, %arg1: memref<24xi32, #tpu.memory_space<smem>>, %arg2: memref<24xi32, #tpu.memory_space<smem>>, %arg3: memref<1xi32, #tpu.memory_space<smem>>) -> (i32, i32) {
    %c0_i32 = arith.constant 0 : i32
    %c0_i32_0 = arith.constant 0 : i32
    %c0_i32_1 = arith.constant 0 : i32
    return %c0_i32, %c0_i32_0 : i32, i32
  }
  func.func @transform_3(%arg0: i32, %arg1: memref<24xi32, #tpu.memory_space<smem>>, %arg2: memref<24xi32, #tpu.memory_space<smem>>, %arg3: memref<1xi32, #tpu.memory_space<smem>>) -> (i32, i32) {
    %get3A = arith.constant 0 : index
    %get3A_0 = memref.load %arg3[%get3A] : memref<1xi32, #tpu.memory_space<smem>>
    %sub3A = arith.constant 1 : i32
    %sub3A_1 = arith.subi %get3A_0, %sub3A : i32
    %min3A = arith.minsi %arg0, %sub3A_1 : i32
    %c0_i32 = arith.constant 0 : i32
    %c0_i32_2 = arith.constant 0 : i32
    return %min3A, %c0_i32 : i32, i32
  }
}

module attributes {stable_mosaic.version = 14 : i64} {
  func.func @_res_kernel(%arg0: i32, %arg1: memref<256x1024xf32, #tpu.memory_space<vmem>>, %arg2: memref<1024x1024xf32, #tpu.memory_space<vmem>>, %arg3: memref<1024xf32, #tpu.memory_space<vmem>>, %arg4: memref<256x1xf32, #tpu.memory_space<vmem>>, %arg5: memref<256x1024xf32, #tpu.memory_space<vmem>>) attributes {dimension_semantics = [#tpu.dimension_semantics<arbitrary>], iteration_bounds = array<i64: 8>, scalar_prefetch = 0 : i64, scratch_operands = 0 : i64, tpu.core_type = #tpu.core_type<tc>, window_params = [{transform_indices = @transform_0, window_bounds = array<i64: 256, 1024>}, {pipeline_mode = #tpu.pipeline_mode<synchronous>, transform_indices = @transform_1, window_bounds = array<i64: 1024, 1024>}, {pipeline_mode = #tpu.pipeline_mode<synchronous>, transform_indices = @transform_2, window_bounds = array<i64: 1024>}, {transform_indices = @transform_3, window_bounds = array<i64: 256, 1>}, {transform_indices = @transform_4, window_bounds = array<i64: 256, 1024>}]} {
    %get3A = arith.constant 0 : index
    %get3A_0 = arith.constant 0 : index
    %get3A_1 = vector.load %arg1[%get3A, %get3A_0] : memref<256x1024xf32, #tpu.memory_space<vmem>>, vector<256x1024xf32>
    %get3A_2 = arith.constant 0 : index
    %get3A_3 = arith.constant 0 : index
    %get3A_4 = vector.load %arg2[%get3A_2, %get3A_3] : memref<1024x1024xf32, #tpu.memory_space<vmem>>, vector<1024x1024xf32>
    %dot_general3A = arith.constant dense<0.000000e+00> : vector<256x1024xf32>
    %dot_general3A_5 = tpu.matmul %get3A_1, %get3A_4, %dot_general3A {dimension_numbers = #tpu.dot_dimension_numbers<[1], [0], [0], [1], [0, 0, 1, 1], [], []>, transpose_lhs_hint = false} : vector<256x1024xf32>, vector<1024x1024xf32>, vector<256x1024xf32> -> vector<256x1024xf32>
    %get3A_6 = arith.constant 0 : index
    %get3A_7 = vector.load %arg3[%get3A_6] : memref<1024xf32, #tpu.memory_space<vmem>>, vector<1024xf32>
    %broadcast_in_dim3A = vector.shape_cast %get3A_7 : vector<1024xf32> to vector<1x1024xf32>
    %add3A = vector.broadcast %broadcast_in_dim3A : vector<1x1024xf32> to vector<256x1024xf32>
    %add3A_8 = arith.addf %dot_general3A_5, %add3A : vector<256x1024xf32>
    %get3A_9 = arith.constant 0 : index
    %get3A_10 = arith.constant 0 : index
    %get3A_11 = vector.load %arg4[%get3A_9, %get3A_10] : memref<256x1xf32, #tpu.memory_space<vmem>>, vector<256x1xf32>
    %mul3A = vector.broadcast %get3A_11 : vector<256x1xf32> to vector<256x1024xf32>
    %mul3A_12 = arith.mulf %mul3A, %add3A_8 : vector<256x1024xf32>
    %swap3A = arith.constant 0 : index
    %swap3A_13 = arith.constant 0 : index
    %swap3A_14 = vector.load %arg5[%swap3A, %swap3A_13] : memref<256x1024xf32, #tpu.memory_space<vmem>>, vector<256x1024xf32>
    tpu.vector_store %arg5[%swap3A, %swap3A_13], %mul3A_12 {strides = array<i32>} : memref<256x1024xf32, #tpu.memory_space<vmem>>, vector<256x1024xf32>,
    return
  }
  func.func @transform_0(%arg0: i32) -> (i32, i32) {
    %c0_i32 = arith.constant 0 : i32
    %c0_i32_0 = arith.constant 0 : i32
    return %arg0, %c0_i32 : i32, i32
  }
  func.func @transform_1(%arg0: i32) -> (i32, i32) {
    %c0_i32 = arith.constant 0 : i32
    %c0_i32_0 = arith.constant 0 : i32
    %c0_i32_1 = arith.constant 0 : i32
    return %c0_i32, %c0_i32_0 : i32, i32
  }
  func.func @transform_2(%arg0: i32) -> i32 {
    %c0_i32 = arith.constant 0 : i32
    %c0_i32_0 = arith.constant 0 : i32
    return %c0_i32 : i32
  }
  func.func @transform_3(%arg0: i32) -> (i32, i32) {
    %c0_i32 = arith.constant 0 : i32
    %c0_i32_0 = arith.constant 0 : i32
    return %arg0, %c0_i32 : i32, i32
  }
  func.func @transform_4(%arg0: i32) -> (i32, i32) {
    %c0_i32 = arith.constant 0 : i32
    %c0_i32_0 = arith.constant 0 : i32
    return %arg0, %c0_i32 : i32, i32
  }
}

module attributes {stable_mosaic.version = 14 : i64} {
  func.func @_combine_kernel(%arg0: i32, %arg1: memref<512x1024xf32, #tpu.memory_space<vmem>>, %arg2: memref<512x1024xf32, #tpu.memory_space<vmem>>, %arg3: memref<512x1024xf32, #tpu.memory_space<vmem>>, %arg4: memref<512x1xf32, #tpu.memory_space<vmem>>, %arg5: memref<512x1xf32, #tpu.memory_space<vmem>>, %arg6: memref<512x1024xf32, #tpu.memory_space<vmem>>) attributes {dimension_semantics = [#tpu.dimension_semantics<arbitrary>], iteration_bounds = array<i64: 4>, scalar_prefetch = 0 : i64, scratch_operands = 0 : i64, tpu.core_type = #tpu.core_type<tc>, window_params = [{transform_indices = @transform_0, window_bounds = array<i64: 512, 1024>}, {transform_indices = @transform_1, window_bounds = array<i64: 512, 1024>}, {transform_indices = @transform_2, window_bounds = array<i64: 512, 1024>}, {transform_indices = @transform_3, window_bounds = array<i64: 512, 1>}, {transform_indices = @transform_4, window_bounds = array<i64: 512, 1>}, {transform_indices = @transform_5, window_bounds = array<i64: 512, 1024>}]} {
    %get3A = arith.constant 0 : index
    %get3A_0 = arith.constant 0 : index
    %get3A_1 = vector.load %arg4[%get3A, %get3A_0] : memref<512x1xf32, #tpu.memory_space<vmem>>, vector<512x1xf32>
    %get3A_2 = arith.constant 0 : index
    %get3A_3 = arith.constant 0 : index
    %get3A_4 = vector.load %arg1[%get3A_2, %get3A_3] : memref<512x1024xf32, #tpu.memory_space<vmem>>, vector<512x1024xf32>
    %mul3A = vector.broadcast %get3A_1 : vector<512x1xf32> to vector<512x1024xf32>
    %mul3A_5 = arith.mulf %mul3A, %get3A_4 : vector<512x1024xf32>
    %get3A_6 = arith.constant 0 : index
    %get3A_7 = arith.constant 0 : index
    %get3A_8 = vector.load %arg5[%get3A_6, %get3A_7] : memref<512x1xf32, #tpu.memory_space<vmem>>, vector<512x1xf32>
    %get3A_9 = arith.constant 0 : index
    %get3A_10 = arith.constant 0 : index
    %get3A_11 = vector.load %arg2[%get3A_9, %get3A_10] : memref<512x1024xf32, #tpu.memory_space<vmem>>, vector<512x1024xf32>
    %mul3A_12 = vector.broadcast %get3A_8 : vector<512x1xf32> to vector<512x1024xf32>
    %mul3A_13 = arith.mulf %mul3A_12, %get3A_11 : vector<512x1024xf32>
    %add3A = arith.addf %mul3A_5, %mul3A_13 : vector<512x1024xf32>
    %get3A_14 = arith.constant 0 : index
    %get3A_15 = arith.constant 0 : index
    %get3A_16 = vector.load %arg3[%get3A_14, %get3A_15] : memref<512x1024xf32, #tpu.memory_space<vmem>>, vector<512x1024xf32>
    %add3A_17 = arith.addf %add3A, %get3A_16 : vector<512x1024xf32>
    %swap3A = arith.constant 0 : index
    %swap3A_18 = arith.constant 0 : index
    %swap3A_19 = vector.load %arg6[%swap3A, %swap3A_18] : memref<512x1024xf32, #tpu.memory_space<vmem>>, vector<512x1024xf32>
    tpu.vector_store %arg6[%swap3A, %swap3A_18], %add3A_17 {strides = array<i32>} : memref<512x1024xf32, #tpu.memory_space<vmem>>, vector<512x1024xf32>,
    return
  }
  func.func @transform_0(%arg0: i32) -> (i32, i32) {
    %c0_i32 = arith.constant 0 : i32
    %c0_i32_0 = arith.constant 0 : i32
    return %arg0, %c0_i32 : i32, i32
  }
  func.func @transform_1(%arg0: i32) -> (i32, i32) {
    %c0_i32 = arith.constant 0 : i32
    %c0_i32_0 = arith.constant 0 : i32
    return %arg0, %c0_i32 : i32, i32
  }
  func.func @transform_2(%arg0: i32) -> (i32, i32) {
    %c0_i32 = arith.constant 0 : i32
    %c0_i32_0 = arith.constant 0 : i32
    return %arg0, %c0_i32 : i32, i32
  }
  func.func @transform_3(%arg0: i32) -> (i32, i32) {
    %c0_i32 = arith.constant 0 : i32
    %c0_i32_0 = arith.constant 0 : i32
    return %arg0, %c0_i32 : i32, i32
  }
  func.func @transform_4(%arg0: i32) -> (i32, i32) {
    %c0_i32 = arith.constant 0 : i32
    %c0_i32_0 = arith.constant 0 : i32
    return %arg0, %c0_i32 : i32, i32
  }
  func.func @transform_5(%arg0: i32) -> (i32, i32) {
    %c0_i32 = arith.constant 0 : i32
    %c0_i32_0 = arith.constant 0 : i32
    return %arg0, %c0_i32 : i32, i32
  }
}

</mosaic_0001>

<sc_bundles>
// kernel: kernel.11.cloned.1.call-start
scs
__scs_entry_jumppad:
0x0: {  	(pc) =	sbr.rel $0x88, $3  }
0x1: {  	(tag) =	ssettag $0x0;
	lr =	simm.s32 $0x1  }
0x2: {  	[smem:$0x3F9A] =	sst lr;
	_ =	strace $0xD0000000  }
0x3: {  	_ = 	snop  }
0x4: {  	_ = 	snop  }
0x5: {  	_ = 	snop  }
0x6: {  	_ = 	snop  }
0x7: {  	_ = 	snop  }
__scs_overlays_trampoline_lowered:
0x8: {  	[smem:$0x3FA9] =	sst s0  }
0x9: {  	[smem:$0x3FAA] =	sst s1  }
0xa: {  	[smem:$0x3FAB] =	sst s2  }
0xb: {  	[smem:$0x3FAC] =	sst s3  }
0xc: {  	[smem:$0x3FAD] =	sst s4  }
0xd: {  	[smem:$0x3FAE] =	sst s5  }
0xe: {  	[smem:$0x3FAF] =	sst s6  }
0xf: {  	[smem:$0x3FB0] =	sst s7  }
0x10: {  	[smem:$0x3FB1] =	sst s8  }
0x11: {  	[smem:$0x3FB2] =	sst s9;
	s0 =	simm.s32 @!p0 $0x0  }
0x12: {  	s1 =	sld [smem:$0x3F98];
	s0 =	simm.s32 @p0 $0x1  }
0x13: {  	[smem:$0x3FB3] =	sst s0;
	s0 =	simm.s32 @!p1 $0x0  }
0x14: {  	s2 =	sld [smem:$0x3F97];
	s0 =	simm.s32 @p1 $0x1  }
0x15: {  	[smem:$0x3FB4] =	sst s0;
	s0 =	simm.s32 @!p2 $0x0  }
0x16: {  	s3 =	sld [smem:$0x3FDB];
	s0 =	simm.s32 @p2 $0x1  }
0x17: {  	s4 =	simm.s32 $0x1BF5;
	[smem:$0x3FB6] =	sst s0  }
0x18: {  	s0 =	sld [smem:$0x3F99];
	_ =	swait.ge [sflag:s4], $0x0  }
0x19: {  	s7 =	sld [smem:$0x3F9A]  }
0x1a: {  	s8 =	sadd.s32 $0xFFFFE003, lr  }
0x1b: {  	s9 =	sadd.s32 $0xFFFFFEF7, lr;
	s5 =	simm.s32 $0xFFFFFFFF;
	p2 =	slt.u32 s8, $0xFFFFF086  }
0x1c: {  	p1 =	slt.u32 s9, $0xF7A;
	s5 =	simm.s32 @!p2 $0x0  }
0x1d: {  	s5 =	simm.s32 @p1 $0x1;
	p0 =	seq.s32 s7, s2  }
0x1e: {  	s7 =	smul.u32 @!p0 $0xF7A, s2;
	p2 =	seq.s32 @!p0 s5, $0x0  }
0x1f: {  	s9 =	smul.u32 $0xF7A, s1;
	s8 =	simm.s32 @!p0 $0x1BF5;
	p2 =	por !p2, p0  }
0x20: {  	[sflag:s8] =	ssyncset.s32 @!p0 $0xFFFFF086;
	s6 =	sadd.s32 @!p0 s3, s7;
	s7 =	simm.s32 @!p0 $0x108  }
0x21: {  	s3 =	sadd.s32 s3, s9;
	s6 =	sadd.s32 @!p0 $0x88, s6;
	s7 =	simm.s32 @p2 $0x1082  }
0x22: {  	[simem:s7], [sflag:s8] =	dma.local @!p0 [hbm:s6], $0xF7A  }
0x23: {  	s9 =	sor.u32 $0xD0000000, s2;
	s6 =	simm.s32 $0x108;
	_ =	swait.ge @!p0 [sflag:s8], $0x0  }
0x24: {  	s3 =	sadd.s32 $0x88, s3;
	s6 =	simm.s32 @!p1 $0x1082;
	[sflag:s4] =	ssyncset.s32 $0xFFFFF086  }
0x25: {  	[simem:s6], [sflag:s4] =	dma.local [hbm:s3], $0xF7A  }
0x26: {  	[smem:$0x3F9A] =	sst s1;
	(tag) =	ssettag s2;
	_ =	strace s9  }
0x27: {  	s1 =	sld [smem:$0x3FAA]  }
0x28: {  	s2 =	sld [smem:$0x3FAB]  }
0x29: {  	s4 =	sld [smem:$0x3FAD]  }
0x2a: {  	p0 =	seq.s32 s5, $0x0;
	s5 =	sld [smem:$0x3FAE]  }
0x2b: {  	s6 =	sld [smem:$0x3FAF]  }
0x2c: {  	s7 =	sld [smem:$0x3FB0]  }
0x2d: {  	s3 =	simm.s32 $0x108;
	s8 =	sld [smem:$0x3FB1]  }
0x2e: {  	s3 =	simm.s32 @!p0 $0x1082;
	s9 =	sld [smem:$0x3FB2]  }
0x2f: {  	lr =	sadd.s32 s0, s3;
	s0 =	sld [smem:$0x3FA9]  }
0x30: {  	s3 =	sld [smem:$0x3FAC]  }
0x31: {  	[smem:$0x3FB5] =	sst s10  }
0x32: {  	s10 =	sld [smem:$0x3FB3];
	_ =	sdelay $0x3  }
0x33: {  	p0 =	seq.s32 s10, $0x1;
	s10 =	sld [smem:$0x3FB5];
	_ =	sdelay $0x3  }
0x34: {  	[smem:$0x3FB5] =	sst s10  }
0x35: {  	s10 =	sld [smem:$0x3FB4];
	_ =	sdelay $0x3  }
0x36: {  	p1 =	seq.s32 s10, $0x1;
	s10 =	sld [smem:$0x3FB5];
	_ =	sdelay $0x3  }
0x37: {  	[smem:$0x3FB5] =	sst s10  }
0x38: {  	s10 =	sld [smem:$0x3FB6]  }
0x39: {  	_ = 	snop;
	(pc) =	sbr.ind lr, $3  }
0x3a: {  	_ = 	snop  }
0x3b: {  	_ = 	snop  }
0x3c: {  	p2 =	seq.s32 s10, $0x1;
	s10 =	sld [smem:$0x3FB5]  }
0x3d: {  	_ =	shalt  }
0x3e: {  	_ =	shalt  }
0x3f: {  	_ =	shalt  }
0x40: {  	_ =	shalt  }
0x41: {  	_ =	shalt  }
0x42: {  	_ =	shalt  }
0x43: {  	_ =	shalt  }
0x44: {  	_ =	shalt  }
0x45: {  	_ =	shalt  }
0x46: {  	_ =	shalt  }
0x47: {  	_ =	shalt  }
0x48: {  	_ =	shalt  }
0x49: {  	_ =	shalt  }
0x4a: {  	_ =	shalt  }
0x4b: {  	_ =	shalt  }
0x4c: {  	_ =	shalt  }
0x4d: {  	_ =	shalt  }
0x4e: {  	_ =	shalt  }
0x4f: {  	_ =	shalt  }
0x50: {  	_ =	shalt  }
0x51: {  	_ =	shalt  }
0x52: {  	_ =	shalt  }
0x53: {  	_ =	shalt  }
0x54: {  	_ =	shalt  }
0x55: {  	_ =	shalt  }
0x56: {  	_ =	shalt  }
0x57: {  	_ =	shalt  }
0x58: {  	_ =	shalt  }
0x59: {  	_ =	shalt  }
0x5a: {  	_ =	shalt  }
0x5b: {  	_ =	shalt  }
0x5c: {  	_ =	shalt  }
0x5d: {  	_ =	shalt  }
0x5e: {  	_ =	shalt  }
0x5f: {  	_ =	shalt  }
0x60: {  	_ =	shalt  }
0x61: {  	_ =	shalt  }
0x62: {  	_ =	shalt  }
0x63: {  	_ =	shalt  }
0x64: {  	_ =	shalt  }
0x65: {  	_ =	shalt  }
0x66: {  	_ =	shalt  }
0x67: {  	_ =	shalt  }
0x68: {  	_ =	shalt  }
0x69: {  	_ =	shalt  }
0x6a: {  	_ =	shalt  }
0x6b: {  	_ =	shalt  }
0x6c: {  	_ =	shalt  }
0x6d: {  	_ =	shalt  }
0x6e: {  	_ =	shalt  }
0x6f: {  	_ =	shalt  }
0x70: {  	_ =	shalt  }
0x71: {  	_ =	shalt  }
0x72: {  	_ =	shalt  }
0x73: {  	_ =	shalt  }
0x74: {  	_ =	shalt  }
0x75: {  	_ =	shalt  }
0x76: {  	_ =	shalt  }
0x77: {  	_ =	shalt  }
0x78: {  	_ =	shalt  }
0x79: {  	_ =	shalt  }
0x7a: {  	_ =	shalt  }
0x7b: {  	_ =	shalt  }
0x7c: {  	_ =	shalt  }
0x7d: {  	_ =	shalt  }
0x7e: {  	_ =	shalt  }
0x7f: {  	_ =	shalt  }
0x80: {  	_ =	shalt  }
0x81: {  	_ =	shalt  }
0x82: {  	_ =	shalt  }
0x83: {  	_ =	shalt  }
0x84: {  	_ =	shalt  }
0x85: {  	_ =	shalt  }
0x86: {  	_ =	shalt  }
0x87: {  	_ =	shalt  }
.Lfunc_end0:
.L_simem_size_0:
called_computation.1_lowered:
.L_overlay_start_0:
0x88: {  	s2 =	sld [smem:$0x3FD9]  }
0x89: {  	s3 =	sld [smem:$0x3FFE];
	_ =	sdelay $0x1  }
0x8a: {  	s1 =	srdreg.scid  }
0x8b: {  	s0 =	sand.u32 $0x1, s1  }
0x8c: {  	s17 =	sshll.u32 s0, $0xA;
	s2 =	sadd.s32 s3, s2  }
0x8d: {  	s2 =	sadd.s32 s2, s17  }
0x8e: {  	[smem:$0x3FC1] =	sst s2  }
0x8f: {  	_ = 	snop  }
0x90: {  	s2 =	sld [smem:$0x3FD0];
	(tm) =	ssettm $0x1  }
0x91: {  	s18 =	sld [smem:$0x3FFB];
	_ =	sdelay $0x3  }
0x92: {  	_ =	strace s18  }
0x93: {  	s3 =	sld [smem:$0x3FFC];
	_ =	sdelay $0x3  }
0x94: {  	_ =	strace s3  }
0x95: {  	s3 =	sld [smem:$0x3FFD];
	_ =	sdelay $0x3  }
0x96: {  	_ =	strace s3  }
0x97: {  	_ =	strace $0x8FFFFFFF  }
0x98: {  	s19 =	sld [smem:$0x3FDB];
	_ =	sdelay $0x1  }
0x99: {  	s4 =	simm.s32 $_scs_section_size  }
0x9a: {  	s5 =	simm.s32 $_size__tile_overlayer_lowered;
	s6 =	simm.s32 $_tile_overlayer_lowered  }
0x9b: {  	s22 =	simm.s32 $0x1BFF;
	s21 =	sshll.u32 s6, $0x1;
	s3 =	sadd.s32 s4, s19  }
0x9c: {  	s7 =	simm.s32 $0x0;
	s20 =	sshll.u32 s5, $0x1;
	s5 =	sadd.s32 s21, s3  }
0x9d: {  	[timem:s7], [sflag:s22] =	dma.local [hbm:s5], s20  }
0x9e: {  	_ =	swait.ge [sflag:s22], s20  }
0x9f: {  	s4 =	ssub.s32 $0x0, s20;
	[sflag:s22] =	ssyncset.done $0x0  }
0xa0: {  	[sflag:s22] =	ssyncadd.s32 s4;
	_ =	sdelay $0x1  }
0xa1: {  	s23 =	simm.s32 $0x1B8B  }
0xa2: {  	_ =	swait.ge [sflag:s23], $0x1  }
0xa3: {  	[sflag:s23] =	ssyncset.done $0x0  }
0xa4: {  	s25 =	simm.s32 $0x1B8E;
	s24 =	sld [smem:$0x3FFE];
	[sflag:s23] =	ssyncadd.s32 $0xFFFFFFFF  }
0xa5: {  	s26 =	simm.s32 $execute0_lowered;
	[smem:$0x3FD2] =	sst s25  }
0xa6: {  	s5 =	sshll.u32 s26, $0x1;
	_ =	strace $0x80000049;
	[dreg:$0x1] =	wrdreg $0xFFFFFFFF  }
0xa7: {  	s28 =	simm.s32 $_size_execute0_lowered;
	s3 =	sadd.s32 s3, s5;
	[dreg:$0x0] =	wrdreg $0x0  }
0xa8: {  	s5 =	sshll.u32 s28, $0x1;
	[dreg:$0x2] =	wrdreg s3  }
0xa9: {  	[dreg:$0x3] =	wrdreg s5  }
0xaa: {  	[dreg:$0x4] =	wrdreg $0xC0  }
0xab: {  	_ =	task [dreg:s7], $0x5FFFF  }
0xac: {  	[dreg:$0x1] =	wrdreg $0xFFFFFFFF  }
0xad: {  	[dreg:$0x0] =	wrdreg $0x60  }
0xae: {  	[dreg:$0x2] =	wrdreg s24  }
0xaf: {  	[dreg:$0x3] =	wrdreg s2  }
0xb0: {  	[dreg:$0x4] =	wrdreg $0x9  }
0xb1: {  	_ =	task.clear_ibuf [dreg:s7], $0x5FFFF;
	_ =	strace $0x90000049  }
0xb2: {  	s29 =	simm.s32 $0x9;
	_ =	strace $0x8000004B  }
0xb3: {  	_ =	swait.ge [sflag:s29], $0x1  }
0xb4: {  	[sflag:s29] =	ssyncadd.s32 $0xFFFFFFFF  }
0xb5: {  	_ =	strace $0x9000004B  }
0xb6: {  	_ =	sfence  }
0xb7: {  	s30 =	sld [smem:$0x0];
	_ =	sdelay $0x2  }
0xb8: {  	s31 =	sshll.u32 s1, $0xD;
	s1 =	sshrl.u32 s1, $0x2  }
0xb9: {  	s3 =	sand.u32 $0x4000, s31;
	s1 =	sadd.s32 s1, s30  }
0xba: {  	s0 =	sor.u32 s3, s0;
	s1 =	sshll.u32 s1, $0x11  }
0xbb: {  	s0 =	sor.u32 s1, s0  }
0xbc: {  	s0 =	sadd.s32 $0x8F2B, s0  }
0xbd: {  	[sflag:s0] =	ssyncadd.remote.s32 $0x1  }
0xbe: {  	_ =	sfence.sel $0xFFFF  }
0xbf: {  	[dreg:$0x0] =	wrdreg $0xFFFFFFFF;
	(pc) =	sbr.abs _section_cstart, $3  }
0xc0: {  	[dreg:$0x1] =	wrdreg $0xFFFFFFFF  }
0xc1: {  	_ =	task.clear_ibuf [dreg:s7], $0x2FFFF;
	_ =	strace $0x9FFFFFFF  }
0xc2: {  	(tm) =	ssettm $0x7FFFFFFF  }
0xc3: {  	_ =	shalt  }
tec
execute0_lowered:
.L_overlay_start_1:
0x0: {  	(tag) =	ssettag $0x1  }
0x1: {  	s0 =	rddreg [dreg:$0x0]  }
0x2: {  	s1 =	rddreg [dreg:$0x1]  }
0x3: {  	s2 =	srdreg.scid;
	s3 =	stileid.u32  }
0x4: {  	s26 =	simm.s32 $0x80;
	s18 =	simm.s32 $0x1;
	s21 =	simm.s32 $0x1100  }
0x5: {  	s22 =	simm.s32 $0x1900;
	s23 =	simm.s32 $0x2100;
	s28 =	simm.s32 $0x4100  }
0x6: {  	s29 =	simm.s32 $0x4900;
	s30 =	simm.s32 $0x5100;
	s31 =	simm.s32 $0x5900  }
0x7: {  	s10 =	simm.s32 $0x7100;
	s11 =	simm.s32 $0x7900;
	s12 =	simm.s32 $0x8100  }
0x8: {  	s13 =	simm.s32 $0x8900;
	s14 =	simm.s32 $0x9100;
	s15 =	simm.s32 $0x9900  }
0x9: {  	s16 =	simm.s32 $0xA100;
	s17 =	simm.s32 $0xA900;
	s4 =	sand.u32 $0x1, s2  }
0xa: {  	s2 =	simm.s32 $0x0;
	s3 =	sshll.u32 s3, $0x7;
	s5 =	sshll.u32 s4, $0x6  }
0xb: {  	[smem:$0x7FF] =	sst s2;
	s4 =	ssub.s32 $0x2, s4;
	s5 =	sor.u32 s5, s3  }
0xc: {  	_ =	strace $0x8000004A;
	s3 =	sadd.s32 $0xC1E00, s0;
	s8 =	sshrl.u32 s4, $0x1  }
0xd: {  	[dreg:$0x7] =	wrdreg s26;
	s26 =	simm.s32 $0x3900;
	s6 =	sshrl.u32 s5, $0x3  }
0xe: {  	s5 =	sshll.u32 s5, $0x7;
	s8 =	ssub.s32 s4, s8;
	s4 =	sadd.s32 $0xC1F00, s0  }
0xf: {  	s6 =	sadd.s32 s6, s0;
	s7 =	sadd.s32 s5, s0;
	s1 =	sadd.s32 s1, s5  }
0x10: {  	s5 =	sadd.s32 $0xC2000, s0;
	s9 =	sadd.s32 $0x1A00, s6;
	[dreg:$0x5] =	wrdreg s1  }
0x11: {  	s24 =	sadd.s32 $0x1C00, s6;
	s25 =	sadd.s32 $0x1E00, s7;
	[dreg:$0x3] =	wrdreg s9  }
0x12: {  	v2 =	vlaneseq.u32;
	s6 =	sadd.s32 $0xC2100, s0;
	s7 =	smax.u32 s8, $0x1;
	[dreg:$0x4] =	wrdreg s24  }
0x13: {  	vm0 =	vmmov $0xffff;
	v1 =	vshrl.u32 v2, $0x3;
	s8 =	simm.s32 $0x2;
	s0 =	simm.s32 $0x100;
	[dreg:$0x6] =	wrdreg s25  }
0x14: {  	v0 =	vand.u32 $0x7, v2;
	v2 =	vor.u32 $0x8, v2;
	v1 =	vmul.u32 $0x8, v1;
	s24 =	simm.s32 $0x2900;
	s25 =	simm.s32 $0x3100;
	s9 =	simm.s32 $0xB100  }
.LBB2_1:
0x15: {  	s19 =	rddreg [dreg:$0x3]  }
0x16: {  	[tilespmem:s2], [sflag:$0x2] =	stream.linear.gather [hbm4b:s19+s2], $0x40, $0x38;
	[tilespmem:$0x10100] =	vst v63  }
0x17: {  	_ =	swait.ge [sflag:s8], $0x40  }
0x18: {  	s1 =	rddreg [dreg:$0x4];
	[sflag:s8] =	ssyncset.done $0x0  }
0x19: {  	s20 =	rddreg [dreg:$0x7];
	[sflag:s8] =	ssyncadd.s32 $0xFFFFFFC0  }
0x1a: {  	[tilespmem:s20], [sflag:$0x2] =	stream.linear.gather [hbm4b:s1+s2], $0x40, $0x38;
	[tilespmem:$0x10100] =	vst v63  }
0x1b: {  	_ =	swait.ge [sflag:s8], $0x40  }
0x1c: {  	[sflag:s8] =	ssyncset.done $0x0  }
0x1d: {  	[sflag:s8] =	ssyncadd.s32 $0xFFFFFFC0  }
0x1e: {  	v3 =	vld [tilespmem:$0x0];
	_ =	sdelay $0x4  }
0x1f: {  	v4 =	vshll.u32 v3, $0x3  }
0x20: {  	v3 =	vand.u32 $0x7, v3;
	v4 =	vand.u32 $0xFFFFFFC0, v4  }
0x21: {  	v3 =	vor.u32 v3, v4  }
0x22: {  	v4 =	vperm.xlane v3, v0;
	_ =	sdelay $0x1  }
0x23: {  	v4 =	vadd.s32 v1, v4;
	_ =	sdelay $0x4  }
0x24: {  	[tilespmem:s0], [sflag:$0x1] =	stream.indirect_vreg.gather [hbm4b:s3+s2], $0x80, v4, vm0, $0xb8;
	[tilespmem:$0x10100] =	vst v63  }
0x25: {  	s20 =	simm.s32 $0x900;
	v3 =	vperm.xlane v3, v2  }
0x26: {  	[tilespmem:s20], [sflag:$0x1] =	stream.indirect_vreg.gather [hbm4b:s4+s2], $0x80, v4, vm0, $0xb8;
	[tilespmem:$0x10100] =	vst v63  }
0x27: {  	v3 =	vadd.s32 v1, v3  }
0x28: {  	[tilespmem:s21], [sflag:$0x1] =	stream.indirect_vreg.gather [hbm4b:s5+s2], $0x80, v4, vm0, $0xb8;
	[tilespmem:$0x10100] =	vst v63  }
0x29: {  	_ = 	snop  }
0x2a: {  	[tilespmem:s22], [sflag:$0x1] =	stream.indirect_vreg.gather [hbm4b:s6+s2], $0x80, v4, vm0, $0xb8;
	[tilespmem:$0x10100] =	vst v63  }
0x2b: {  	_ = 	snop  }
0x2c: {  	[tilespmem:s23], [sflag:$0x1] =	stream.indirect_vreg.gather [hbm4b:s3+s2], $0x80, v3, vm0, $0xb8;
	[tilespmem:$0x10100] =	vst v63  }
0x2d: {  	_ = 	snop  }
0x2e: {  	[tilespmem:s24], [sflag:$0x1] =	stream.indirect_vreg.gather [hbm4b:s4+s2], $0x80, v3, vm0, $0xb8;
	[tilespmem:$0x10100] =	vst v63  }
0x2f: {  	_ = 	snop  }
0x30: {  	[tilespmem:s25], [sflag:$0x1] =	stream.indirect_vreg.gather [hbm4b:s5+s2], $0x80, v3, vm0, $0xb8;
	[tilespmem:$0x10100] =	vst v63  }
0x31: {  	_ = 	snop  }
0x32: {  	[tilespmem:s26], [sflag:$0x1] =	stream.indirect_vreg.gather [hbm4b:s6+s2], $0x80, v3, vm0, $0xb8;
	[tilespmem:$0x10100] =	vst v63  }
0x33: {  	v3 =	vld [tilespmem:$0x10];
	_ =	sdelay $0x4  }
0x34: {  	v57 =	vshll.u32 v3, $0x3  }
0x35: {  	v3 =	vand.u32 $0x7, v3;
	v4 =	vand.u32 $0xFFFFFFC0, v57  }
0x36: {  	v3 =	vor.u32 v3, v4  }
0x37: {  	v4 =	vperm.xlane v3, v0;
	_ =	sdelay $0x1  }
0x38: {  	v4 =	vadd.s32 v1, v4;
	_ =	sdelay $0x4  }
0x39: {  	[tilespmem:s28], [sflag:$0x1] =	stream.indirect_vreg.gather [hbm4b:s3+s2], $0x80, v4, vm0, $0xb8;
	[tilespmem:$0x10100] =	vst v63  }
0x3a: {  	v3 =	vperm.xlane v3, v2  }
0x3b: {  	[tilespmem:s29], [sflag:$0x1] =	stream.indirect_vreg.gather [hbm4b:s4+s2], $0x80, v4, vm0, $0xb8;
	[tilespmem:$0x10100] =	vst v63  }
0x3c: {  	v3 =	vadd.s32 v1, v3  }
0x3d: {  	[tilespmem:s30], [sflag:$0x1] =	stream.indirect_vreg.gather [hbm4b:s5+s2], $0x80, v4, vm0, $0xb8;
	[tilespmem:$0x10100] =	vst v63  }
0x3e: {  	_ = 	snop  }
0x3f: {  	[tilespmem:s31], [sflag:$0x1] =	stream.indirect_vreg.gather [hbm4b:s6+s2], $0x80, v4, vm0, $0xb8;
	[tilespmem:$0x10100] =	vst v63  }
0x40: {  	s1 =	simm.s32 $0x6100  }
0x41: {  	[tilespmem:s1], [sflag:$0x1] =	stream.indirect_vreg.gather [hbm4b:s3+s2], $0x80, v3, vm0, $0xb8;
	[tilespmem:$0x10100] =	vst v63  }
0x42: {  	s1 =	simm.s32 $0x6900  }
0x43: {  	[tilespmem:s1], [sflag:$0x1] =	stream.indirect_vreg.gather [hbm4b:s4+s2], $0x80, v3, vm0, $0xb8;
	[tilespmem:$0x10100] =	vst v63  }
0x44: {  	_ = 	snop  }
0x45: {  	[tilespmem:s10], [sflag:$0x1] =	stream.indirect_vreg.gather [hbm4b:s5+s2], $0x80, v3, vm0, $0xb8;
	[tilespmem:$0x10100] =	vst v63  }
0x46: {  	_ = 	snop  }
0x47: {  	[tilespmem:s11], [sflag:$0x1] =	stream.indirect_vreg.gather [hbm4b:s6+s2], $0x80, v3, vm0, $0xb8;
	[tilespmem:$0x10100] =	vst v63  }
0x48: {  	v3 =	vld [tilespmem:$0x20];
	_ =	sdelay $0x4  }
0x49: {  	v58 =	vshll.u32 v3, $0x3  }
0x4a: {  	v3 =	vand.u32 $0x7, v3;
	v4 =	vand.u32 $0xFFFFFFC0, v58  }
0x4b: {  	v3 =	vor.u32 v3, v4  }
0x4c: {  	v4 =	vperm.xlane v3, v0;
	_ =	sdelay $0x1  }
0x4d: {  	v4 =	vadd.s32 v1, v4;
	_ =	sdelay $0x4  }
0x4e: {  	[tilespmem:s12], [sflag:$0x1] =	stream.indirect_vreg.gather [hbm4b:s3+s2], $0x80, v4, vm0, $0xb8;
	[tilespmem:$0x10100] =	vst v63  }
0x4f: {  	v3 =	vperm.xlane v3, v2  }
0x50: {  	[tilespmem:s13], [sflag:$0x1] =	stream.indirect_vreg.gather [hbm4b:s4+s2], $0x80, v4, vm0, $0xb8;
	[tilespmem:$0x10100] =	vst v63  }
0x51: {  	v3 =	vadd.s32 v1, v3  }
0x52: {  	[tilespmem:s14], [sflag:$0x1] =	stream.indirect_vreg.gather [hbm4b:s5+s2], $0x80, v4, vm0, $0xb8;
	[tilespmem:$0x10100] =	vst v63  }
0x53: {  	_ = 	snop  }
0x54: {  	[tilespmem:s15], [sflag:$0x1] =	stream.indirect_vreg.gather [hbm4b:s6+s2], $0x80, v4, vm0, $0xb8;
	[tilespmem:$0x10100] =	vst v63  }
0x55: {  	_ = 	snop  }
0x56: {  	[tilespmem:s16], [sflag:$0x1] =	stream.indirect_vreg.gather [hbm4b:s3+s2], $0x80, v3, vm0, $0xb8;
	[tilespmem:$0x10100] =	vst v63  }
0x57: {  	_ = 	snop  }
0x58: {  	[tilespmem:s17], [sflag:$0x1] =	stream.indirect_vreg.gather [hbm4b:s4+s2], $0x80, v3, vm0, $0xb8;
	[tilespmem:$0x10100] =	vst v63  }
0x59: {  	_ = 	snop  }
0x5a: {  	[tilespmem:s9], [sflag:$0x1] =	stream.indirect_vreg.gather [hbm4b:s5+s2], $0x80, v3, vm0, $0xb8;
	[tilespmem:$0x10100] =	vst v63  }
0x5b: {  	s19 =	simm.s32 $0xB900  }
0x5c: {  	[tilespmem:s19], [sflag:$0x1] =	stream.indirect_vreg.gather [hbm4b:s6+s2], $0x80, v3, vm0, $0xb8;
	[tilespmem:$0x10100] =	vst v63  }
0x5d: {  	v3 =	vld [tilespmem:$0x30];
	_ =	sdelay $0x4  }
0x5e: {  	v59 =	vshll.u32 v3, $0x3  }
0x5f: {  	v3 =	vand.u32 $0x7, v3;
	v4 =	vand.u32 $0xFFFFFFC0, v59  }
0x60: {  	v3 =	vor.u32 v3, v4  }
0x61: {  	v4 =	vperm.xlane v3, v0;
	_ =	sdelay $0x1  }
0x62: {  	v4 =	vadd.s32 v1, v4;
	_ =	sdelay $0x3  }
0x63: {  	s19 =	simm.s32 $0xC100  }
0x64: {  	[tilespmem:s19], [sflag:$0x1] =	stream.indirect_vreg.gather [hbm4b:s3+s2], $0x80, v4, vm0, $0xb8;
	[tilespmem:$0x10100] =	vst v63  }
0x65: {  	v3 =	vperm.xlane v3, v2;
	s19 =	simm.s32 $0xC900  }
0x66: {  	[tilespmem:s19], [sflag:$0x1] =	stream.indirect_vreg.gather [hbm4b:s4+s2], $0x80, v4, vm0, $0xb8;
	[tilespmem:$0x10100] =	vst v63  }
0x67: {  	v3 =	vadd.s32 v1, v3;
	s19 =	simm.s32 $0xD100  }
0x68: {  	[tilespmem:s19], [sflag:$0x1] =	stream.indirect_vreg.gather [hbm4b:s5+s2], $0x80, v4, vm0, $0xb8;
	[tilespmem:$0x10100] =	vst v63  }
0x69: {  	s19 =	simm.s32 $0xD900  }
0x6a: {  	[tilespmem:s19], [sflag:$0x1] =	stream.indirect_vreg.gather [hbm4b:s6+s2], $0x80, v4, vm0, $0xb8;
	[tilespmem:$0x10100] =	vst v63  }
0x6b: {  	s19 =	simm.s32 $0xE100  }
0x6c: {  	[tilespmem:s19], [sflag:$0x1] =	stream.indirect_vreg.gather [hbm4b:s3+s2], $0x80, v3, vm0, $0xb8;
	[tilespmem:$0x10100] =	vst v63  }
0x6d: {  	s19 =	simm.s32 $0xE900  }
0x6e: {  	[tilespmem:s19], [sflag:$0x1] =	stream.indirect_vreg.gather [hbm4b:s4+s2], $0x80, v3, vm0, $0xb8;
	[tilespmem:$0x10100] =	vst v63  }
0x6f: {  	s19 =	simm.s32 $0xF100  }
0x70: {  	[tilespmem:s19], [sflag:$0x1] =	stream.indirect_vreg.gather [hbm4b:s5+s2], $0x80, v3, vm0, $0xb8;
	[tilespmem:$0x10100] =	vst v63  }
0x71: {  	s19 =	simm.s32 $0xF900  }
0x72: {  	[tilespmem:s19], [sflag:$0x1] =	stream.indirect_vreg.gather [hbm4b:s6+s2], $0x80, v3, vm0, $0xb8;
	[tilespmem:$0x10100] =	vst v63  }
0x73: {  	_ =	swait.ge [sflag:s18], $0x10000  }
0x74: {  	[sflag:s18] =	ssyncset.done $0x0  }
0x75: {  	s19 =	rddreg [dreg:$0x5];
	[sflag:s18] =	ssyncadd.s32 $0xFFFF0000  }
0x76: {  	[hbm4b:s19+s2] =	stream.linear.scatter [tilespmem:s0], [sflag:$0x2], $0x10000, $0x38;
	[tilespmem:$0x10100] =	vst v63  }
0x77: {  	_ =	swait.ge [sflag:s8], $0x10000  }
0x78: {  	[sflag:s8] =	ssyncset.done $0x0  }
0x79: {  	[sflag:s8] =	ssyncadd.s32 $0xFFFF0000  }
0x7a: {  	v3 =	vld [tilespmem:$0x80];
	_ =	sdelay $0x4  }
0x7b: {  	v60 =	vshll.u32 v3, $0x3  }
0x7c: {  	v3 =	vand.u32 $0x7, v3;
	v4 =	vand.u32 $0xFFFFFFC0, v60  }
0x7d: {  	v3 =	vor.u32 v3, v4  }
0x7e: {  	v4 =	vperm.xlane v3, v0;
	_ =	sdelay $0x1  }
0x7f: {  	v4 =	vadd.s32 v1, v4;
	_ =	sdelay $0x4  }
0x80: {  	[tilespmem:s0], [sflag:$0x1] =	stream.indirect_vreg.gather [hbm4b:s3+s2], $0x80, v4, vm0, $0xb8;
	[tilespmem:$0x10100] =	vst v63  }
0x81: {  	v3 =	vperm.xlane v3, v2  }
0x82: {  	[tilespmem:s20], [sflag:$0x1] =	stream.indirect_vreg.gather [hbm4b:s4+s2], $0x80, v4, vm0, $0xb8;
	[tilespmem:$0x10100] =	vst v63  }
0x83: {  	v3 =	vadd.s32 v1, v3  }
0x84: {  	[tilespmem:s21], [sflag:$0x1] =	stream.indirect_vreg.gather [hbm4b:s5+s2], $0x80, v4, vm0, $0xb8;
	[tilespmem:$0x10100] =	vst v63  }
0x85: {  	_ = 	snop  }
0x86: {  	[tilespmem:s22], [sflag:$0x1] =	stream.indirect_vreg.gather [hbm4b:s6+s2], $0x80, v4, vm0, $0xb8;
	[tilespmem:$0x10100] =	vst v63  }
0x87: {  	_ = 	snop  }
0x88: {  	[tilespmem:s23], [sflag:$0x1] =	stream.indirect_vreg.gather [hbm4b:s3+s2], $0x80, v3, vm0, $0xb8;
	[tilespmem:$0x10100] =	vst v63  }
0x89: {  	_ = 	snop  }
0x8a: {  	[tilespmem:s24], [sflag:$0x1] =	stream.indirect_vreg.gather [hbm4b:s4+s2], $0x80, v3, vm0, $0xb8;
	[tilespmem:$0x10100] =	vst v63  }
0x8b: {  	_ = 	snop  }
0x8c: {  	[tilespmem:s25], [sflag:$0x1] =	stream.indirect_vreg.gather [hbm4b:s5+s2], $0x80, v3, vm0, $0xb8;
	[tilespmem:$0x10100] =	vst v63  }
0x8d: {  	_ = 	snop  }
0x8e: {  	[tilespmem:s26], [sflag:$0x1] =	stream.indirect_vreg.gather [hbm4b:s6+s2], $0x80, v3, vm0, $0xb8;
	[tilespmem:$0x10100] =	vst v63  }
0x8f: {  	v3 =	vld [tilespmem:$0x90];
	_ =	sdelay $0x4  }
0x90: {  	v61 =	vshll.u32 v3, $0x3  }
0x91: {  	v3 =	vand.u32 $0x7, v3;
	v4 =	vand.u32 $0xFFFFFFC0, v61  }
0x92: {  	v3 =	vor.u32 v3, v4  }
0x93: {  	v4 =	vperm.xlane v3, v0;
	_ =	sdelay $0x1  }
0x94: {  	v4 =	vadd.s32 v1, v4;
	_ =	sdelay $0x4  }
0x95: {  	[tilespmem:s28], [sflag:$0x1] =	stream.indirect_vreg.gather [hbm4b:s3+s2], $0x80, v4, vm0, $0xb8;
	[tilespmem:$0x10100] =	vst v63  }
0x96: {  	v3 =	vperm.xlane v3, v2  }
0x97: {  	[tilespmem:s29], [sflag:$0x1] =	stream.indirect_vreg.gather [hbm4b:s4+s2], $0x80, v4, vm0, $0xb8;
	[tilespmem:$0x10100] =	vst v63  }
0x98: {  	v3 =	vadd.s32 v1, v3  }
0x99: {  	[tilespmem:s30], [sflag:$0x1] =	stream.indirect_vreg.gather [hbm4b:s5+s2], $0x80, v4, vm0, $0xb8;
	[tilespmem:$0x10100] =	vst v63  }
0x9a: {  	_ = 	snop  }
0x9b: {  	[tilespmem:s31], [sflag:$0x1] =	stream.indirect_vreg.gather [hbm4b:s6+s2], $0x80, v4, vm0, $0xb8;
	[tilespmem:$0x10100] =	vst v63  }
0x9c: {  	s20 =	simm.s32 $0x6100  }
0x9d: {  	[tilespmem:s20], [sflag:$0x1] =	stream.indirect_vreg.gather [hbm4b:s3+s2], $0x80, v3, vm0, $0xb8;
	[tilespmem:$0x10100] =	vst v63  }
0x9e: {  	_ = 	snop  }
0x9f: {  	[tilespmem:s1], [sflag:$0x1] =	stream.indirect_vreg.gather [hbm4b:s4+s2], $0x80, v3, vm0, $0xb8;
	[tilespmem:$0x10100] =	vst v63  }
0xa0: {  	_ = 	snop  }
0xa1: {  	[tilespmem:s10], [sflag:$0x1] =	stream.indirect_vreg.gather [hbm4b:s5+s2], $0x80, v3, vm0, $0xb8;
	[tilespmem:$0x10100] =	vst v63  }
0xa2: {  	_ = 	snop  }
0xa3: {  	[tilespmem:s11], [sflag:$0x1] =	stream.indirect_vreg.gather [hbm4b:s6+s2], $0x80, v3, vm0, $0xb8;
	[tilespmem:$0x10100] =	vst v63  }
0xa4: {  	v3 =	vld [tilespmem:$0xA0];
	_ =	sdelay $0x4  }
0xa5: {  	v62 =	vshll.u32 v3, $0x3  }
0xa6: {  	v3 =	vand.u32 $0x7, v3;
	v4 =	vand.u32 $0xFFFFFFC0, v62  }
0xa7: {  	v3 =	vor.u32 v3, v4  }
0xa8: {  	v4 =	vperm.xlane v3, v0;
	_ =	sdelay $0x1  }
0xa9: {  	v4 =	vadd.s32 v1, v4;
	_ =	sdelay $0x4  }
0xaa: {  	[tilespmem:s12], [sflag:$0x1] =	stream.indirect_vreg.gather [hbm4b:s3+s2], $0x80, v4, vm0, $0xb8;
	[tilespmem:$0x10100] =	vst v63  }
0xab: {  	v3 =	vperm.xlane v3, v2  }
0xac: {  	[tilespmem:s13], [sflag:$0x1] =	stream.indirect_vreg.gather [hbm4b:s4+s2], $0x80, v4, vm0, $0xb8;
	[tilespmem:$0x10100] =	vst v63  }
0xad: {  	v3 =	vadd.s32 v1, v3  }
0xae: {  	[tilespmem:s14], [sflag:$0x1] =	stream.indirect_vreg.gather [hbm4b:s5+s2], $0x80, v4, vm0, $0xb8;
	[tilespmem:$0x10100] =	vst v63  }
0xaf: {  	_ = 	snop  }
0xb0: {  	[tilespmem:s15], [sflag:$0x1] =	stream.indirect_vreg.gather [hbm4b:s6+s2], $0x80, v4, vm0, $0xb8;
	[tilespmem:$0x10100] =	vst v63  }
0xb1: {  	_ = 	snop  }
0xb2: {  	[tilespmem:s16], [sflag:$0x1] =	stream.indirect_vreg.gather [hbm4b:s3+s2], $0x80, v3, vm0, $0xb8;
	[tilespmem:$0x10100] =	vst v63  }
0xb3: {  	_ = 	snop  }
0xb4: {  	[tilespmem:s17], [sflag:$0x1] =	stream.indirect_vreg.gather [hbm4b:s4+s2], $0x80, v3, vm0, $0xb8;
	[tilespmem:$0x10100] =	vst v63  }
0xb5: {  	_ = 	snop  }
0xb6: {  	[tilespmem:s9], [sflag:$0x1] =	stream.indirect_vreg.gather [hbm4b:s5+s2], $0x80, v3, vm0, $0xb8;
	[tilespmem:$0x10100] =	vst v63  }
0xb7: {  	s19 =	simm.s32 $0xB900  }
0xb8: {  	[tilespmem:s19], [sflag:$0x1] =	stream.indirect_vreg.gather [hbm4b:s6+s2], $0x80, v3, vm0, $0xb8;
	[tilespmem:$0x10100] =	vst v63  }
0xb9: {  	v3 =	vld [tilespmem:$0xB0];
	_ =	sdelay $0x4  }
0xba: {  	v63 =	vshll.u32 v3, $0x3  }
0xbb: {  	v3 =	vand.u32 $0x7, v3;
	v4 =	vand.u32 $0xFFFFFFC0, v63  }
0xbc: {  	v3 =	vor.u32 v3, v4  }
0xbd: {  	v4 =	vperm.xlane v3, v0;
	_ =	sdelay $0x1  }
0xbe: {  	v4 =	vadd.s32 v1, v4;
	_ =	sdelay $0x3  }
0xbf: {  	s20 =	simm.s32 $0xC100  }
0xc0: {  	[tilespmem:s20], [sflag:$0x1] =	stream.indirect_vreg.gather [hbm4b:s3+s2], $0x80, v4, vm0, $0xb8;
	[tilespmem:$0x10100] =	vst v63  }
0xc1: {  	s19 =	simm.s32 $0xC900;
	v3 =	vperm.xlane v3, v2  }
0xc2: {  	[tilespmem:s19], [sflag:$0x1] =	stream.indirect_vreg.gather [hbm4b:s4+s2], $0x80, v4, vm0, $0xb8;
	[tilespmem:$0x10100] =	vst v63  }
0xc3: {  	v3 =	vadd.s32 v1, v3;
	s20 =	simm.s32 $0xD100  }
0xc4: {  	[tilespmem:s20], [sflag:$0x1] =	stream.indirect_vreg.gather [hbm4b:s5+s2], $0x80, v4, vm0, $0xb8;
	[tilespmem:$0x10100] =	vst v63  }
0xc5: {  	s19 =	simm.s32 $0xD900  }
0xc6: {  	[tilespmem:s19], [sflag:$0x1] =	stream.indirect_vreg.gather [hbm4b:s6+s2], $0x80, v4, vm0, $0xb8;
	[tilespmem:$0x10100] =	vst v63  }
0xc7: {  	s20 =	simm.s32 $0xE100  }
0xc8: {  	[tilespmem:s20], [sflag:$0x1] =	stream.indirect_vreg.gather [hbm4b:s3+s2], $0x80, v3, vm0, $0xb8;
	[tilespmem:$0x10100] =	vst v63  }
0xc9: {  	s19 =	simm.s32 $0xE900  }
0xca: {  	[tilespmem:s19], [sflag:$0x1] =	stream.indirect_vreg.gather [hbm4b:s4+s2], $0x80, v3, vm0, $0xb8;
	[tilespmem:$0x10100] =	vst v63  }
0xcb: {  	s20 =	simm.s32 $0xF100  }
0xcc: {  	[tilespmem:s20], [sflag:$0x1] =	stream.indirect_vreg.gather [hbm4b:s5+s2], $0x80, v3, vm0, $0xb8;
	[tilespmem:$0x10100] =	vst v63  }
0xcd: {  	s19 =	simm.s32 $0xF900  }
0xce: {  	[tilespmem:s19], [sflag:$0x1] =	stream.indirect_vreg.gather [hbm4b:s6+s2], $0x80, v3, vm0, $0xb8;
	[tilespmem:$0x10100] =	vst v63  }
0xcf: {  	_ =	swait.ge [sflag:s18], $0x10000  }
0xd0: {  	p0 =	sne.s32 s7, $0x1;
	[sflag:s18] =	ssyncset.done $0x0  }
.Ltmp0:
0xd1: {  	s20 =	rddreg [dreg:$0x6];
	[sflag:s18] =	ssyncadd.s32 $0xFFFF0000;
	(pc) =	sbr.rel @p0 .LBB2_1-.Ltmp0, $4  }
0xd2: {  	[hbm4b:s20+s2] =	stream.linear.scatter [tilespmem:s0], [sflag:$0x2], $0x10000, $0x38;
	[tilespmem:$0x10100] =	vst v63  }
0xd3: {  	_ =	swait.ge [sflag:s8], $0x10000  }
0xd4: {  	[sflag:s8] =	ssyncset.done $0x0  }
0xd5: {  	s7 =	sadd.s32 $0xFFFFFFFF, s7;
	[sflag:s8] =	ssyncadd.s32 $0xFFFF0000  }
0xd6: {  	_ =	sfence.sel $0x180000  }
0xd7: {  	[bflag:$0x0] =	sbarrier.arrive $0xFFFF  }
0xd8: {  	_ =	strace $0x9000004A  }
0xd9: {  	s0 =	stileid.u32;
	[bflag:$0x2] =	sbarrier.arrive $0xFFFF  }
0xda: {  	p0 =	sne.s32 s0, $0x0;
	s0 =	rddreg [dreg:$0x2]  }
0xdb: {  	s0 =	sadd.s32 @!p0 $0x100000, s0  }
0xdc: {  	[sflag:s0] =	ssyncadd.tile.s32 @!p0 $0x1;
	_ =	shalt  }
.Lfunc_end2:
_tile_overlayer_lowered:
.L_overlay_start_2:
0xdd: {  	(tag) =	ssettag $0x2  }
0xde: {  	s0 =	rddreg [dreg:$0x0];
	s2 =	stileid.u32  }
0xdf: {  	s1 =	rddreg [dreg:$0x1];
	p0 =	sne.s32 s2, $0x0  }
0xe0: {  	s3 =	rddreg [dreg:$0x2];
	[bflag:$0x3] =	sbarrier.arrive $0xFFFF;
	s2 =	simm.s32 @!p0 $0x1C02  }
0xe1: {  	[timem:s3], [sflag:s2] =	dma.local @!p0 [hbm:s0], s1  }
0xe2: {  	s0 =	simm.s32 @!p0 $0x2  }
0xe3: {  	_ =	swait.ge @!p0 [sflag:s0], s1  }
0xe4: {  	s1 =	ssub.s32 @!p0 $0x0, s1;
	[sflag:s0] =	ssyncset.done @!p0 $0x0  }
0xe5: {  	[sflag:s0] =	ssyncadd.s32 @!p0 s1  }
0xe6: {  	[bflag:$0x3] =	sbarrier.arrive $0xFFFF  }
0xe7: {  	_ =	shalt  }

// kernel: kernel.8.cloned.1.call-start
scs
__scs_entry_jumppad:
0x0: {  	(pc) =	sbr.rel $0x88, $3  }
0x1: {  	(tag) =	ssettag $0x0;
	lr =	simm.s32 $0x1  }
0x2: {  	[smem:$0x3F9A] =	sst lr;
	_ =	strace $0xD0000000  }
0x3: {  	_ = 	snop  }
0x4: {  	_ = 	snop  }
0x5: {  	_ = 	snop  }
0x6: {  	_ = 	snop  }
0x7: {  	_ = 	snop  }
__scs_overlays_trampoline_lowered:
0x8: {  	[smem:$0x3FA9] =	sst s0  }
0x9: {  	[smem:$0x3FAA] =	sst s1  }
0xa: {  	[smem:$0x3FAB] =	sst s2  }
0xb: {  	[smem:$0x3FAC] =	sst s3  }
0xc: {  	[smem:$0x3FAD] =	sst s4  }
0xd: {  	[smem:$0x3FAE] =	sst s5  }
0xe: {  	[smem:$0x3FAF] =	sst s6  }
0xf: {  	[smem:$0x3FB0] =	sst s7  }
0x10: {  	[smem:$0x3FB1] =	sst s8  }
0x11: {  	[smem:$0x3FB2] =	sst s9;
	s0 =	simm.s32 @!p0 $0x0  }
0x12: {  	s1 =	sld [smem:$0x3F98];
	s0 =	simm.s32 @p0 $0x1  }
0x13: {  	[smem:$0x3FB3] =	sst s0;
	s0 =	simm.s32 @!p1 $0x0  }
0x14: {  	s2 =	sld [smem:$0x3F97];
	s0 =	simm.s32 @p1 $0x1  }
0x15: {  	[smem:$0x3FB4] =	sst s0;
	s0 =	simm.s32 @!p2 $0x0  }
0x16: {  	s3 =	sld [smem:$0x3FDB];
	s0 =	simm.s32 @p2 $0x1  }
0x17: {  	s4 =	simm.s32 $0x1BF5;
	[smem:$0x3FB6] =	sst s0  }
0x18: {  	s0 =	sld [smem:$0x3F99];
	_ =	swait.ge [sflag:s4], $0x0  }
0x19: {  	s7 =	sld [smem:$0x3F9A]  }
0x1a: {  	s8 =	sadd.s32 $0xFFFFE003, lr  }
0x1b: {  	s9 =	sadd.s32 $0xFFFFFEF7, lr;
	s5 =	simm.s32 $0xFFFFFFFF;
	p2 =	slt.u32 s8, $0xFFFFF086  }
0x1c: {  	p1 =	slt.u32 s9, $0xF7A;
	s5 =	simm.s32 @!p2 $0x0  }
0x1d: {  	s5 =	simm.s32 @p1 $0x1;
	p0 =	seq.s32 s7, s2  }
0x1e: {  	s7 =	smul.u32 @!p0 $0xF7A, s2;
	p2 =	seq.s32 @!p0 s5, $0x0  }
0x1f: {  	s9 =	smul.u32 $0xF7A, s1;
	s8 =	simm.s32 @!p0 $0x1BF5;
	p2 =	por !p2, p0  }
0x20: {  	[sflag:s8] =	ssyncset.s32 @!p0 $0xFFFFF086;
	s6 =	sadd.s32 @!p0 s3, s7;
	s7 =	simm.s32 @!p0 $0x108  }
0x21: {  	s3 =	sadd.s32 s3, s9;
	s6 =	sadd.s32 @!p0 $0x88, s6;
	s7 =	simm.s32 @p2 $0x1082  }
0x22: {  	[simem:s7], [sflag:s8] =	dma.local @!p0 [hbm:s6], $0xF7A  }
0x23: {  	s9 =	sor.u32 $0xD0000000, s2;
	s6 =	simm.s32 $0x108;
	_ =	swait.ge @!p0 [sflag:s8], $0x0  }
0x24: {  	s3 =	sadd.s32 $0x88, s3;
	s6 =	simm.s32 @!p1 $0x1082;
	[sflag:s4] =	ssyncset.s32 $0xFFFFF086  }
0x25: {  	[simem:s6], [sflag:s4] =	dma.local [hbm:s3], $0xF7A  }
0x26: {  	[smem:$0x3F9A] =	sst s1;
	(tag) =	ssettag s2;
	_ =	strace s9  }
0x27: {  	s1 =	sld [smem:$0x3FAA]  }
0x28: {  	s2 =	sld [smem:$0x3FAB]  }
0x29: {  	s4 =	sld [smem:$0x3FAD]  }
0x2a: {  	p0 =	seq.s32 s5, $0x0;
	s5 =	sld [smem:$0x3FAE]  }
0x2b: {  	s6 =	sld [smem:$0x3FAF]  }
0x2c: {  	s7 =	sld [smem:$0x3FB0]  }
0x2d: {  	s3 =	simm.s32 $0x108;
	s8 =	sld [smem:$0x3FB1]  }
0x2e: {  	s3 =	simm.s32 @!p0 $0x1082;
	s9 =	sld [smem:$0x3FB2]  }
0x2f: {  	lr =	sadd.s32 s0, s3;
	s0 =	sld [smem:$0x3FA9]  }
0x30: {  	s3 =	sld [smem:$0x3FAC]  }
0x31: {  	[smem:$0x3FB5] =	sst s10  }
0x32: {  	s10 =	sld [smem:$0x3FB3];
	_ =	sdelay $0x3  }
0x33: {  	p0 =	seq.s32 s10, $0x1;
	s10 =	sld [smem:$0x3FB5];
	_ =	sdelay $0x3  }
0x34: {  	[smem:$0x3FB5] =	sst s10  }
0x35: {  	s10 =	sld [smem:$0x3FB4];
	_ =	sdelay $0x3  }
0x36: {  	p1 =	seq.s32 s10, $0x1;
	s10 =	sld [smem:$0x3FB5];
	_ =	sdelay $0x3  }
0x37: {  	[smem:$0x3FB5] =	sst s10  }
0x38: {  	s10 =	sld [smem:$0x3FB6]  }
0x39: {  	_ = 	snop;
	(pc) =	sbr.ind lr, $3  }
0x3a: {  	_ = 	snop  }
0x3b: {  	_ = 	snop  }
0x3c: {  	p2 =	seq.s32 s10, $0x1;
	s10 =	sld [smem:$0x3FB5]  }
0x3d: {  	_ =	shalt  }
0x3e: {  	_ =	shalt  }
0x3f: {  	_ =	shalt  }
0x40: {  	_ =	shalt  }
0x41: {  	_ =	shalt  }
0x42: {  	_ =	shalt  }
0x43: {  	_ =	shalt  }
0x44: {  	_ =	shalt  }
0x45: {  	_ =	shalt  }
0x46: {  	_ =	shalt  }
0x47: {  	_ =	shalt  }
0x48: {  	_ =	shalt  }
0x49: {  	_ =	shalt  }
0x4a: {  	_ =	shalt  }
0x4b: {  	_ =	shalt  }
0x4c: {  	_ =	shalt  }
0x4d: {  	_ =	shalt  }
0x4e: {  	_ =	shalt  }
0x4f: {  	_ =	shalt  }
0x50: {  	_ =	shalt  }
0x51: {  	_ =	shalt  }
0x52: {  	_ =	shalt  }
0x53: {  	_ =	shalt  }
0x54: {  	_ =	shalt  }
0x55: {  	_ =	shalt  }
0x56: {  	_ =	shalt  }
0x57: {  	_ =	shalt  }
0x58: {  	_ =	shalt  }
0x59: {  	_ =	shalt  }
0x5a: {  	_ =	shalt  }
0x5b: {  	_ =	shalt  }
0x5c: {  	_ =	shalt  }
0x5d: {  	_ =	shalt  }
0x5e: {  	_ =	shalt  }
0x5f: {  	_ =	shalt  }
0x60: {  	_ =	shalt  }
0x61: {  	_ =	shalt  }
0x62: {  	_ =	shalt  }
0x63: {  	_ =	shalt  }
0x64: {  	_ =	shalt  }
0x65: {  	_ =	shalt  }
0x66: {  	_ =	shalt  }
0x67: {  	_ =	shalt  }
0x68: {  	_ =	shalt  }
0x69: {  	_ =	shalt  }
0x6a: {  	_ =	shalt  }
0x6b: {  	_ =	shalt  }
0x6c: {  	_ =	shalt  }
0x6d: {  	_ =	shalt  }
0x6e: {  	_ =	shalt  }
0x6f: {  	_ =	shalt  }
0x70: {  	_ =	shalt  }
0x71: {  	_ =	shalt  }
0x72: {  	_ =	shalt  }
0x73: {  	_ =	shalt  }
0x74: {  	_ =	shalt  }
0x75: {  	_ =	shalt  }
0x76: {  	_ =	shalt  }
0x77: {  	_ =	shalt  }
0x78: {  	_ =	shalt  }
0x79: {  	_ =	shalt  }
0x7a: {  	_ =	shalt  }
0x7b: {  	_ =	shalt  }
0x7c: {  	_ =	shalt  }
0x7d: {  	_ =	shalt  }
0x7e: {  	_ =	shalt  }
0x7f: {  	_ =	shalt  }
0x80: {  	_ =	shalt  }
0x81: {  	_ =	shalt  }
0x82: {  	_ =	shalt  }
0x83: {  	_ =	shalt  }
0x84: {  	_ =	shalt  }
0x85: {  	_ =	shalt  }
0x86: {  	_ =	shalt  }
0x87: {  	_ =	shalt  }
.Lfunc_end0:
.L_simem_size_0:
called_computation_lowered:
.L_overlay_start_0:
0x88: {  	s2 =	sld [smem:$0x3FD9]  }
0x89: {  	s3 =	sld [smem:$0x3FFE];
	_ =	sdelay $0x1  }
0x8a: {  	s1 =	srdreg.scid  }
0x8b: {  	s0 =	sand.u32 $0x1, s1  }
0x8c: {  	s17 =	sshll.u32 s0, $0xA;
	s2 =	sadd.s32 s3, s2  }
0x8d: {  	s2 =	sadd.s32 s2, s17  }
0x8e: {  	[smem:$0x3FC1] =	sst s2  }
0x8f: {  	_ = 	snop  }
0x90: {  	s2 =	sld [smem:$0x3FC9];
	(tm) =	ssettm $0x1  }
0x91: {  	s18 =	sld [smem:$0x3FFB];
	_ =	sdelay $0x3  }
0x92: {  	_ =	strace s18  }
0x93: {  	s3 =	sld [smem:$0x3FFC];
	_ =	sdelay $0x3  }
0x94: {  	_ =	strace s3  }
0x95: {  	s3 =	sld [smem:$0x3FFD];
	_ =	sdelay $0x3  }
0x96: {  	_ =	strace s3  }
0x97: {  	_ =	strace $0x8FFFFFFF  }
0x98: {  	s19 =	sld [smem:$0x3FDB];
	_ =	sdelay $0x1  }
0x99: {  	s4 =	simm.s32 $_scs_section_size  }
0x9a: {  	s5 =	simm.s32 $_size__tile_overlayer_lowered;
	s6 =	simm.s32 $_tile_overlayer_lowered  }
0x9b: {  	s22 =	simm.s32 $0x1BFF;
	s21 =	sshll.u32 s6, $0x1;
	s3 =	sadd.s32 s4, s19  }
0x9c: {  	s7 =	simm.s32 $0x0;
	s20 =	sshll.u32 s5, $0x1;
	s5 =	sadd.s32 s21, s3  }
0x9d: {  	[timem:s7], [sflag:s22] =	dma.local [hbm:s5], s20  }
0x9e: {  	_ =	swait.ge [sflag:s22], s20  }
0x9f: {  	s4 =	ssub.s32 $0x0, s20;
	[sflag:s22] =	ssyncset.done $0x0  }
0xa0: {  	[sflag:s22] =	ssyncadd.s32 s4;
	_ =	sdelay $0x1  }
0xa1: {  	s23 =	simm.s32 $0x1B8B  }
0xa2: {  	_ =	swait.ge [sflag:s23], $0x1  }
0xa3: {  	[sflag:s23] =	ssyncset.done $0x0  }
0xa4: {  	s25 =	simm.s32 $0x1B8E;
	s24 =	sld [smem:$0x3FFE];
	[sflag:s23] =	ssyncadd.s32 $0xFFFFFFFF  }
0xa5: {  	s26 =	simm.s32 $execute0_lowered;
	[smem:$0x3FD2] =	sst s25  }
0xa6: {  	s5 =	sshll.u32 s26, $0x1;
	_ =	strace $0x80000046;
	[dreg:$0x1] =	wrdreg $0xFFFFFFFF  }
0xa7: {  	s28 =	simm.s32 $_size_execute0_lowered;
	s3 =	sadd.s32 s3, s5;
	[dreg:$0x0] =	wrdreg $0x0  }
0xa8: {  	s5 =	sshll.u32 s28, $0x1;
	[dreg:$0x2] =	wrdreg s3  }
0xa9: {  	[dreg:$0x3] =	wrdreg s5  }
0xaa: {  	[dreg:$0x4] =	wrdreg $0xC0  }
0xab: {  	_ =	task [dreg:s7], $0x5FFFF  }
0xac: {  	[dreg:$0x1] =	wrdreg $0xFFFFFFFF  }
0xad: {  	[dreg:$0x0] =	wrdreg $0x60  }
0xae: {  	[dreg:$0x2] =	wrdreg s2  }
0xaf: {  	[dreg:$0x3] =	wrdreg s24  }
0xb0: {  	[dreg:$0x4] =	wrdreg $0x9  }
0xb1: {  	_ =	task.clear_ibuf [dreg:s7], $0x5FFFF;
	_ =	strace $0x90000046  }
0xb2: {  	s29 =	simm.s32 $0x9;
	_ =	strace $0x80000048  }
0xb3: {  	_ =	swait.ge [sflag:s29], $0x1  }
0xb4: {  	[sflag:s29] =	ssyncadd.s32 $0xFFFFFFFF  }
0xb5: {  	_ =	strace $0x90000048  }
0xb6: {  	_ =	sfence  }
0xb7: {  	s30 =	sld [smem:$0x0];
	_ =	sdelay $0x2  }
0xb8: {  	s31 =	sshll.u32 s1, $0xD;
	s1 =	sshrl.u32 s1, $0x2  }
0xb9: {  	s3 =	sand.u32 $0x4000, s31;
	s1 =	sadd.s32 s1, s30  }
0xba: {  	s0 =	sor.u32 s3, s0;
	s1 =	sshll.u32 s1, $0x11  }
0xbb: {  	s0 =	sor.u32 s1, s0  }
0xbc: {  	s0 =	sadd.s32 $0x8F2B, s0  }
0xbd: {  	[sflag:s0] =	ssyncadd.remote.s32 $0x1  }
0xbe: {  	_ =	sfence.sel $0xFFFF  }
0xbf: {  	[dreg:$0x0] =	wrdreg $0xFFFFFFFF;
	(pc) =	sbr.abs _section_cstart, $3  }
0xc0: {  	[dreg:$0x1] =	wrdreg $0xFFFFFFFF  }
0xc1: {  	_ =	task.clear_ibuf [dreg:s7], $0x2FFFF;
	_ =	strace $0x9FFFFFFF  }
0xc2: {  	(tm) =	ssettm $0x7FFFFFFF  }
0xc3: {  	_ =	shalt  }
tec
execute0_lowered:
.L_overlay_start_1:
0x0: {  	(tag) =	ssettag $0x1  }
0x1: {  	s0 =	srdreg.scid;
	s1 =	rddreg [dreg:$0x0]  }
0x2: {  	s2 =	stileid.u32;
	s6 =	rddreg [dreg:$0x1];
	s26 =	simm.s32 $0x80  }
0x3: {  	s8 =	simm.s32 $0x2;
	s18 =	simm.s32 $0x1;
	s21 =	simm.s32 $0x1900  }
0x4: {  	s22 =	simm.s32 $0x2100;
	s23 =	simm.s32 $0x2900;
	s24 =	simm.s32 $0x3100  }
0x5: {  	s28 =	simm.s32 $0x4900;
	s29 =	simm.s32 $0x5100;
	s30 =	simm.s32 $0x5900  }
0x6: {  	s31 =	simm.s32 $0x6100;
	s10 =	simm.s32 $0x7900;
	s11 =	simm.s32 $0x8100  }
0x7: {  	s12 =	simm.s32 $0x8900;
	s13 =	simm.s32 $0x9100;
	s14 =	simm.s32 $0x9900  }
0x8: {  	s15 =	simm.s32 $0xA100;
	s16 =	simm.s32 $0xA900;
	s17 =	simm.s32 $0xB100  }
0x9: {  	s0 =	sand.u32 $0x1, s0;
	s3 =	sshll.u32 s2, $0x7;
	s2 =	simm.s32 $0x0  }
0xa: {  	s4 =	sshll.u32 s0, $0x6;
	[smem:$0x7FF] =	sst s2;
	s0 =	ssub.s32 $0x2, s0  }
0xb: {  	s4 =	sor.u32 s4, s3;
	_ =	strace $0x80000047;
	s25 =	sshrl.u32 s0, $0x1  }
0xc: {  	[dreg:$0x6] =	wrdreg s26;
	s3 =	sshrl.u32 s4, $0x3;
	s4 =	sshll.u32 s4, $0x7  }
0xd: {  	s26 =	simm.s32 $0x4100;
	s5 =	sadd.s32 s3, s6;
	s1 =	sadd.s32 s1, s4  }
0xe: {  	s0 =	ssub.s32 s0, s25;
	s7 =	sadd.s32 $0x1A00, s5;
	[dreg:$0x5] =	wrdreg s1  }
0xf: {  	v2 =	vlaneseq.u32;
	s25 =	simm.s32 $0x3900;
	s5 =	sadd.s32 $0x1C00, s5;
	[dreg:$0x3] =	wrdreg s7  }
0x10: {  	vm0 =	vmmov $0xffff;
	v1 =	vshrl.u32 v2, $0x3;
	s3 =	sadd.s32 $0x1E00, s6;
	s4 =	sadd.s32 $0x1F00, s6;
	[dreg:$0x4] =	wrdreg s5  }
0x11: {  	v0 =	vand.u32 $0x7, v2;
	v2 =	vor.u32 $0x8, v2;
	v1 =	vmul.u32 $0x8, v1;
	s5 =	sadd.s32 $0x2000, s6;
	s6 =	sadd.s32 $0x2100, s6;
	s7 =	smax.u32 s0, $0x1  }
.LBB2_1:
0x12: {  	s19 =	rddreg [dreg:$0x3]  }
0x13: {  	[tilespmem:s2], [sflag:$0x2] =	stream.linear.gather [hbm4b:s19+s2], $0x40, $0x38;
	[tilespmem:$0x10100] =	vst v63  }
0x14: {  	_ =	swait.ge [sflag:s8], $0x40  }
0x15: {  	s1 =	rddreg [dreg:$0x4];
	[sflag:s8] =	ssyncset.done $0x0  }
0x16: {  	s20 =	rddreg [dreg:$0x6];
	[sflag:s8] =	ssyncadd.s32 $0xFFFFFFC0  }
0x17: {  	[tilespmem:s20], [sflag:$0x2] =	stream.linear.gather [hbm4b:s1+s2], $0x40, $0x38;
	[tilespmem:$0x10100] =	vst v63  }
0x18: {  	_ =	swait.ge [sflag:s8], $0x40  }
0x19: {  	[sflag:s8] =	ssyncset.done $0x0  }
0x1a: {  	s0 =	simm.s32 $0x100;
	s9 =	rddreg [dreg:$0x5];
	[sflag:s8] =	ssyncadd.s32 $0xFFFFFFC0  }
0x1b: {  	[tilespmem:s0], [sflag:$0x2] =	stream.linear.gather [hbm4b:s9+s2], $0x10000, $0x38;
	[tilespmem:$0x10100] =	vst v63  }
0x1c: {  	_ =	swait.ge [sflag:s8], $0x10000  }
0x1d: {  	[sflag:s8] =	ssyncset.done $0x0  }
0x1e: {  	[sflag:s8] =	ssyncadd.s32 $0xFFFF0000  }
0x1f: {  	v3 =	vld [tilespmem:$0x0];
	_ =	sdelay $0x4  }
0x20: {  	v4 =	vshll.u32 v3, $0x3  }
0x21: {  	v3 =	vand.u32 $0x7, v3;
	v4 =	vand.u32 $0xFFFFFFC0, v4  }
0x22: {  	v3 =	vor.u32 v3, v4  }
0x23: {  	v4 =	vperm.xlane v3, v0;
	_ =	sdelay $0x1  }
0x24: {  	v4 =	vadd.s32 v1, v4;
	_ =	sdelay $0x4  }
0x25: {  	[hbm4b:s3+s2] =	stream.indirect_vreg.scatter [tilespmem:s0], [sflag:$0x1], $0x80, v4, vm0, $0xb8;
	[tilespmem:$0x10100] =	vst v63  }
0x26: {  	s19 =	simm.s32 $0x900;
	v3 =	vperm.xlane v3, v2  }
0x27: {  	[hbm4b:s4+s2] =	stream.indirect_vreg.scatter [tilespmem:s19], [sflag:$0x1], $0x80, v4, vm0, $0xb8;
	[tilespmem:$0x10100] =	vst v63  }
0x28: {  	s20 =	simm.s32 $0x1100;
	v3 =	vadd.s32 v1, v3  }
0x29: {  	[hbm4b:s5+s2] =	stream.indirect_vreg.scatter [tilespmem:s20], [sflag:$0x1], $0x80, v4, vm0, $0xb8;
	[tilespmem:$0x10100] =	vst v63  }
0x2a: {  	_ = 	snop  }
0x2b: {  	[hbm4b:s6+s2] =	stream.indirect_vreg.scatter [tilespmem:s21], [sflag:$0x1], $0x80, v4, vm0, $0xb8;
	[tilespmem:$0x10100] =	vst v63  }
0x2c: {  	_ = 	snop  }
0x2d: {  	[hbm4b:s3+s2] =	stream.indirect_vreg.scatter [tilespmem:s22], [sflag:$0x1], $0x80, v3, vm0, $0xb8;
	[tilespmem:$0x10100] =	vst v63  }
0x2e: {  	_ = 	snop  }
0x2f: {  	[hbm4b:s4+s2] =	stream.indirect_vreg.scatter [tilespmem:s23], [sflag:$0x1], $0x80, v3, vm0, $0xb8;
	[tilespmem:$0x10100] =	vst v63  }
0x30: {  	_ = 	snop  }
0x31: {  	[hbm4b:s5+s2] =	stream.indirect_vreg.scatter [tilespmem:s24], [sflag:$0x1], $0x80, v3, vm0, $0xb8;
	[tilespmem:$0x10100] =	vst v63  }
0x32: {  	_ = 	snop  }
0x33: {  	[hbm4b:s6+s2] =	stream.indirect_vreg.scatter [tilespmem:s25], [sflag:$0x1], $0x80, v3, vm0, $0xb8;
	[tilespmem:$0x10100] =	vst v63  }
0x34: {  	v3 =	vld [tilespmem:$0x10];
	_ =	sdelay $0x4  }
0x35: {  	v57 =	vshll.u32 v3, $0x3  }
0x36: {  	v3 =	vand.u32 $0x7, v3;
	v4 =	vand.u32 $0xFFFFFFC0, v57  }
0x37: {  	v3 =	vor.u32 v3, v4  }
0x38: {  	v4 =	vperm.xlane v3, v0;
	_ =	sdelay $0x1  }
0x39: {  	v4 =	vadd.s32 v1, v4;
	_ =	sdelay $0x4  }
0x3a: {  	[hbm4b:s3+s2] =	stream.indirect_vreg.scatter [tilespmem:s26], [sflag:$0x1], $0x80, v4, vm0, $0xb8;
	[tilespmem:$0x10100] =	vst v63  }
0x3b: {  	v3 =	vperm.xlane v3, v2  }
0x3c: {  	[hbm4b:s4+s2] =	stream.indirect_vreg.scatter [tilespmem:s28], [sflag:$0x1], $0x80, v4, vm0, $0xb8;
	[tilespmem:$0x10100] =	vst v63  }
0x3d: {  	v3 =	vadd.s32 v1, v3  }
0x3e: {  	[hbm4b:s5+s2] =	stream.indirect_vreg.scatter [tilespmem:s29], [sflag:$0x1], $0x80, v4, vm0, $0xb8;
	[tilespmem:$0x10100] =	vst v63  }
0x3f: {  	_ = 	snop  }
0x40: {  	[hbm4b:s6+s2] =	stream.indirect_vreg.scatter [tilespmem:s30], [sflag:$0x1], $0x80, v4, vm0, $0xb8;
	[tilespmem:$0x10100] =	vst v63  }
0x41: {  	_ = 	snop  }
0x42: {  	[hbm4b:s3+s2] =	stream.indirect_vreg.scatter [tilespmem:s31], [sflag:$0x1], $0x80, v3, vm0, $0xb8;
	[tilespmem:$0x10100] =	vst v63  }
0x43: {  	s1 =	simm.s32 $0x6900  }
0x44: {  	[hbm4b:s4+s2] =	stream.indirect_vreg.scatter [tilespmem:s1], [sflag:$0x1], $0x80, v3, vm0, $0xb8;
	[tilespmem:$0x10100] =	vst v63  }
0x45: {  	s9 =	simm.s32 $0x7100  }
0x46: {  	[hbm4b:s5+s2] =	stream.indirect_vreg.scatter [tilespmem:s9], [sflag:$0x1], $0x80, v3, vm0, $0xb8;
	[tilespmem:$0x10100] =	vst v63  }
0x47: {  	_ = 	snop  }
0x48: {  	[hbm4b:s6+s2] =	stream.indirect_vreg.scatter [tilespmem:s10], [sflag:$0x1], $0x80, v3, vm0, $0xb8;
	[tilespmem:$0x10100] =	vst v63  }
0x49: {  	v3 =	vld [tilespmem:$0x20];
	_ =	sdelay $0x4  }
0x4a: {  	v58 =	vshll.u32 v3, $0x3  }
0x4b: {  	v3 =	vand.u32 $0x7, v3;
	v4 =	vand.u32 $0xFFFFFFC0, v58  }
0x4c: {  	v3 =	vor.u32 v3, v4  }
0x4d: {  	v4 =	vperm.xlane v3, v0;
	_ =	sdelay $0x1  }
0x4e: {  	v4 =	vadd.s32 v1, v4;
	_ =	sdelay $0x4  }
0x4f: {  	[hbm4b:s3+s2] =	stream.indirect_vreg.scatter [tilespmem:s11], [sflag:$0x1], $0x80, v4, vm0, $0xb8;
	[tilespmem:$0x10100] =	vst v63  }
0x50: {  	v3 =	vperm.xlane v3, v2  }
0x51: {  	[hbm4b:s4+s2] =	stream.indirect_vreg.scatter [tilespmem:s12], [sflag:$0x1], $0x80, v4, vm0, $0xb8;
	[tilespmem:$0x10100] =	vst v63  }
0x52: {  	v3 =	vadd.s32 v1, v3  }
0x53: {  	[hbm4b:s5+s2] =	stream.indirect_vreg.scatter [tilespmem:s13], [sflag:$0x1], $0x80, v4, vm0, $0xb8;
	[tilespmem:$0x10100] =	vst v63  }
0x54: {  	_ = 	snop  }
0x55: {  	[hbm4b:s6+s2] =	stream.indirect_vreg.scatter [tilespmem:s14], [sflag:$0x1], $0x80, v4, vm0, $0xb8;
	[tilespmem:$0x10100] =	vst v63  }
0x56: {  	_ = 	snop  }
0x57: {  	[hbm4b:s3+s2] =	stream.indirect_vreg.scatter [tilespmem:s15], [sflag:$0x1], $0x80, v3, vm0, $0xb8;
	[tilespmem:$0x10100] =	vst v63  }
0x58: {  	_ = 	snop  }
0x59: {  	[hbm4b:s4+s2] =	stream.indirect_vreg.scatter [tilespmem:s16], [sflag:$0x1], $0x80, v3, vm0, $0xb8;
	[tilespmem:$0x10100] =	vst v63  }
0x5a: {  	_ = 	snop  }
0x5b: {  	[hbm4b:s5+s2] =	stream.indirect_vreg.scatter [tilespmem:s17], [sflag:$0x1], $0x80, v3, vm0, $0xb8;
	[tilespmem:$0x10100] =	vst v63  }
0x5c: {  	s9 =	simm.s32 $0xB900  }
0x5d: {  	[hbm4b:s6+s2] =	stream.indirect_vreg.scatter [tilespmem:s9], [sflag:$0x1], $0x80, v3, vm0, $0xb8;
	[tilespmem:$0x10100] =	vst v63  }
0x5e: {  	v3 =	vld [tilespmem:$0x30];
	_ =	sdelay $0x4  }
0x5f: {  	v59 =	vshll.u32 v3, $0x3  }
0x60: {  	v3 =	vand.u32 $0x7, v3;
	v4 =	vand.u32 $0xFFFFFFC0, v59  }
0x61: {  	v3 =	vor.u32 v3, v4  }
0x62: {  	v4 =	vperm.xlane v3, v0;
	_ =	sdelay $0x1  }
0x63: {  	v4 =	vadd.s32 v1, v4;
	_ =	sdelay $0x3  }
0x64: {  	s1 =	simm.s32 $0xC100  }
0x65: {  	[hbm4b:s3+s2] =	stream.indirect_vreg.scatter [tilespmem:s1], [sflag:$0x1], $0x80, v4, vm0, $0xb8;
	[tilespmem:$0x10100] =	vst v63  }
0x66: {  	v3 =	vperm.xlane v3, v2;
	s1 =	simm.s32 $0xC900  }
0x67: {  	[hbm4b:s4+s2] =	stream.indirect_vreg.scatter [tilespmem:s1], [sflag:$0x1], $0x80, v4, vm0, $0xb8;
	[tilespmem:$0x10100] =	vst v63  }
0x68: {  	v3 =	vadd.s32 v1, v3;
	s1 =	simm.s32 $0xD100  }
0x69: {  	[hbm4b:s5+s2] =	stream.indirect_vreg.scatter [tilespmem:s1], [sflag:$0x1], $0x80, v4, vm0, $0xb8;
	[tilespmem:$0x10100] =	vst v63  }
0x6a: {  	s1 =	simm.s32 $0xD900  }
0x6b: {  	[hbm4b:s6+s2] =	stream.indirect_vreg.scatter [tilespmem:s1], [sflag:$0x1], $0x80, v4, vm0, $0xb8;
	[tilespmem:$0x10100] =	vst v63  }
0x6c: {  	s1 =	simm.s32 $0xE100  }
0x6d: {  	[hbm4b:s3+s2] =	stream.indirect_vreg.scatter [tilespmem:s1], [sflag:$0x1], $0x80, v3, vm0, $0xb8;
	[tilespmem:$0x10100] =	vst v63  }
0x6e: {  	s1 =	simm.s32 $0xE900  }
0x6f: {  	[hbm4b:s4+s2] =	stream.indirect_vreg.scatter [tilespmem:s1], [sflag:$0x1], $0x80, v3, vm0, $0xb8;
	[tilespmem:$0x10100] =	vst v63  }
0x70: {  	s1 =	simm.s32 $0xF100  }
0x71: {  	[hbm4b:s5+s2] =	stream.indirect_vreg.scatter [tilespmem:s1], [sflag:$0x1], $0x80, v3, vm0, $0xb8;
	[tilespmem:$0x10100] =	vst v63  }
0x72: {  	s1 =	simm.s32 $0xF900  }
0x73: {  	[hbm4b:s6+s2] =	stream.indirect_vreg.scatter [tilespmem:s1], [sflag:$0x1], $0x80, v3, vm0, $0xb8;
	[tilespmem:$0x10100] =	vst v63  }
0x74: {  	_ =	swait.ge [sflag:s18], $0x10000  }
0x75: {  	[sflag:s18] =	ssyncset.done $0x0  }
0x76: {  	[sflag:s18] =	ssyncadd.s32 $0xFFFF0000  }
0x77: {  	v3 =	vld [tilespmem:$0x80];
	_ =	sdelay $0x4  }
0x78: {  	v60 =	vshll.u32 v3, $0x3  }
0x79: {  	v3 =	vand.u32 $0x7, v3;
	v4 =	vand.u32 $0xFFFFFFC0, v60  }
0x7a: {  	v3 =	vor.u32 v3, v4  }
0x7b: {  	v4 =	vperm.xlane v3, v0;
	_ =	sdelay $0x1  }
0x7c: {  	v4 =	vadd.s32 v1, v4;
	_ =	sdelay $0x4  }
0x7d: {  	[hbm4b:s3+s2] =	stream.indirect_vreg.scatter [tilespmem:s0], [sflag:$0x1], $0x80, v4, vm0, $0xb8;
	[tilespmem:$0x10100] =	vst v63  }
0x7e: {  	v3 =	vperm.xlane v3, v2  }
0x7f: {  	[hbm4b:s4+s2] =	stream.indirect_vreg.scatter [tilespmem:s19], [sflag:$0x1], $0x80, v4, vm0, $0xb8;
	[tilespmem:$0x10100] =	vst v63  }
0x80: {  	v3 =	vadd.s32 v1, v3  }
0x81: {  	[hbm4b:s5+s2] =	stream.indirect_vreg.scatter [tilespmem:s20], [sflag:$0x1], $0x80, v4, vm0, $0xb8;
	[tilespmem:$0x10100] =	vst v63  }
0x82: {  	_ = 	snop  }
0x83: {  	[hbm4b:s6+s2] =	stream.indirect_vreg.scatter [tilespmem:s21], [sflag:$0x1], $0x80, v4, vm0, $0xb8;
	[tilespmem:$0x10100] =	vst v63  }
0x84: {  	_ = 	snop  }
0x85: {  	[hbm4b:s3+s2] =	stream.indirect_vreg.scatter [tilespmem:s22], [sflag:$0x1], $0x80, v3, vm0, $0xb8;
	[tilespmem:$0x10100] =	vst v63  }
0x86: {  	_ = 	snop  }
0x87: {  	[hbm4b:s4+s2] =	stream.indirect_vreg.scatter [tilespmem:s23], [sflag:$0x1], $0x80, v3, vm0, $0xb8;
	[tilespmem:$0x10100] =	vst v63  }
0x88: {  	_ = 	snop  }
0x89: {  	[hbm4b:s5+s2] =	stream.indirect_vreg.scatter [tilespmem:s24], [sflag:$0x1], $0x80, v3, vm0, $0xb8;
	[tilespmem:$0x10100] =	vst v63  }
0x8a: {  	_ = 	snop  }
0x8b: {  	[hbm4b:s6+s2] =	stream.indirect_vreg.scatter [tilespmem:s25], [sflag:$0x1], $0x80, v3, vm0, $0xb8;
	[tilespmem:$0x10100] =	vst v63  }
0x8c: {  	v3 =	vld [tilespmem:$0x90];
	_ =	sdelay $0x4  }
0x8d: {  	v61 =	vshll.u32 v3, $0x3  }
0x8e: {  	v3 =	vand.u32 $0x7, v3;
	v4 =	vand.u32 $0xFFFFFFC0, v61  }
0x8f: {  	v3 =	vor.u32 v3, v4  }
0x90: {  	v4 =	vperm.xlane v3, v0;
	_ =	sdelay $0x1  }
0x91: {  	v4 =	vadd.s32 v1, v4;
	_ =	sdelay $0x4  }
0x92: {  	[hbm4b:s3+s2] =	stream.indirect_vreg.scatter [tilespmem:s26], [sflag:$0x1], $0x80, v4, vm0, $0xb8;
	[tilespmem:$0x10100] =	vst v63  }
0x93: {  	v3 =	vperm.xlane v3, v2  }
0x94: {  	[hbm4b:s4+s2] =	stream.indirect_vreg.scatter [tilespmem:s28], [sflag:$0x1], $0x80, v4, vm0, $0xb8;
	[tilespmem:$0x10100] =	vst v63  }
0x95: {  	v3 =	vadd.s32 v1, v3  }
0x96: {  	[hbm4b:s5+s2] =	stream.indirect_vreg.scatter [tilespmem:s29], [sflag:$0x1], $0x80, v4, vm0, $0xb8;
	[tilespmem:$0x10100] =	vst v63  }
0x97: {  	_ = 	snop  }
0x98: {  	[hbm4b:s6+s2] =	stream.indirect_vreg.scatter [tilespmem:s30], [sflag:$0x1], $0x80, v4, vm0, $0xb8;
	[tilespmem:$0x10100] =	vst v63  }
0x99: {  	_ = 	snop  }
0x9a: {  	[hbm4b:s3+s2] =	stream.indirect_vreg.scatter [tilespmem:s31], [sflag:$0x1], $0x80, v3, vm0, $0xb8;
	[tilespmem:$0x10100] =	vst v63  }
0x9b: {  	s20 =	simm.s32 $0x6900  }
0x9c: {  	[hbm4b:s4+s2] =	stream.indirect_vreg.scatter [tilespmem:s20], [sflag:$0x1], $0x80, v3, vm0, $0xb8;
	[tilespmem:$0x10100] =	vst v63  }
0x9d: {  	s19 =	simm.s32 $0x7100  }
0x9e: {  	[hbm4b:s5+s2] =	stream.indirect_vreg.scatter [tilespmem:s19], [sflag:$0x1], $0x80, v3, vm0, $0xb8;
	[tilespmem:$0x10100] =	vst v63  }
0x9f: {  	_ = 	snop  }
0xa0: {  	[hbm4b:s6+s2] =	stream.indirect_vreg.scatter [tilespmem:s10], [sflag:$0x1], $0x80, v3, vm0, $0xb8;
	[tilespmem:$0x10100] =	vst v63  }
0xa1: {  	v3 =	vld [tilespmem:$0xA0];
	_ =	sdelay $0x4  }
0xa2: {  	v62 =	vshll.u32 v3, $0x3  }
0xa3: {  	v3 =	vand.u32 $0x7, v3;
	v4 =	vand.u32 $0xFFFFFFC0, v62  }
0xa4: {  	v3 =	vor.u32 v3, v4  }
0xa5: {  	v4 =	vperm.xlane v3, v0;
	_ =	sdelay $0x1  }
0xa6: {  	v4 =	vadd.s32 v1, v4;
	_ =	sdelay $0x4  }
0xa7: {  	[hbm4b:s3+s2] =	stream.indirect_vreg.scatter [tilespmem:s11], [sflag:$0x1], $0x80, v4, vm0, $0xb8;
	[tilespmem:$0x10100] =	vst v63  }
0xa8: {  	v3 =	vperm.xlane v3, v2  }
0xa9: {  	[hbm4b:s4+s2] =	stream.indirect_vreg.scatter [tilespmem:s12], [sflag:$0x1], $0x80, v4, vm0, $0xb8;
	[tilespmem:$0x10100] =	vst v63  }
0xaa: {  	v3 =	vadd.s32 v1, v3  }
0xab: {  	[hbm4b:s5+s2] =	stream.indirect_vreg.scatter [tilespmem:s13], [sflag:$0x1], $0x80, v4, vm0, $0xb8;
	[tilespmem:$0x10100] =	vst v63  }
0xac: {  	_ = 	snop  }
0xad: {  	[hbm4b:s6+s2] =	stream.indirect_vreg.scatter [tilespmem:s14], [sflag:$0x1], $0x80, v4, vm0, $0xb8;
	[tilespmem:$0x10100] =	vst v63  }
0xae: {  	_ = 	snop  }
0xaf: {  	[hbm4b:s3+s2] =	stream.indirect_vreg.scatter [tilespmem:s15], [sflag:$0x1], $0x80, v3, vm0, $0xb8;
	[tilespmem:$0x10100] =	vst v63  }
0xb0: {  	_ = 	snop  }
0xb1: {  	[hbm4b:s4+s2] =	stream.indirect_vreg.scatter [tilespmem:s16], [sflag:$0x1], $0x80, v3, vm0, $0xb8;
	[tilespmem:$0x10100] =	vst v63  }
0xb2: {  	_ = 	snop  }
0xb3: {  	[hbm4b:s5+s2] =	stream.indirect_vreg.scatter [tilespmem:s17], [sflag:$0x1], $0x80, v3, vm0, $0xb8;
	[tilespmem:$0x10100] =	vst v63  }
0xb4: {  	_ = 	snop  }
0xb5: {  	[hbm4b:s6+s2] =	stream.indirect_vreg.scatter [tilespmem:s9], [sflag:$0x1], $0x80, v3, vm0, $0xb8;
	[tilespmem:$0x10100] =	vst v63  }
0xb6: {  	v3 =	vld [tilespmem:$0xB0];
	_ =	sdelay $0x4  }
0xb7: {  	v63 =	vshll.u32 v3, $0x3  }
0xb8: {  	v3 =	vand.u32 $0x7, v3;
	v4 =	vand.u32 $0xFFFFFFC0, v63  }
0xb9: {  	v3 =	vor.u32 v3, v4  }
0xba: {  	v4 =	vperm.xlane v3, v0;
	_ =	sdelay $0x1  }
0xbb: {  	v4 =	vadd.s32 v1, v4;
	_ =	sdelay $0x3  }
0xbc: {  	s20 =	simm.s32 $0xC100  }
0xbd: {  	[hbm4b:s3+s2] =	stream.indirect_vreg.scatter [tilespmem:s20], [sflag:$0x1], $0x80, v4, vm0, $0xb8;
	[tilespmem:$0x10100] =	vst v63  }
0xbe: {  	s9 =	simm.s32 $0xC900;
	v3 =	vperm.xlane v3, v2  }
0xbf: {  	[hbm4b:s4+s2] =	stream.indirect_vreg.scatter [tilespmem:s9], [sflag:$0x1], $0x80, v4, vm0, $0xb8;
	[tilespmem:$0x10100] =	vst v63  }
0xc0: {  	s19 =	simm.s32 $0xD100;
	v3 =	vadd.s32 v1, v3  }
0xc1: {  	[hbm4b:s5+s2] =	stream.indirect_vreg.scatter [tilespmem:s19], [sflag:$0x1], $0x80, v4, vm0, $0xb8;
	[tilespmem:$0x10100] =	vst v63  }
0xc2: {  	s20 =	simm.s32 $0xD900  }
0xc3: {  	[hbm4b:s6+s2] =	stream.indirect_vreg.scatter [tilespmem:s20], [sflag:$0x1], $0x80, v4, vm0, $0xb8;
	[tilespmem:$0x10100] =	vst v63  }
0xc4: {  	s9 =	simm.s32 $0xE100  }
0xc5: {  	[hbm4b:s3+s2] =	stream.indirect_vreg.scatter [tilespmem:s9], [sflag:$0x1], $0x80, v3, vm0, $0xb8;
	[tilespmem:$0x10100] =	vst v63  }
0xc6: {  	s19 =	simm.s32 $0xE900  }
0xc7: {  	[hbm4b:s4+s2] =	stream.indirect_vreg.scatter [tilespmem:s19], [sflag:$0x1], $0x80, v3, vm0, $0xb8;
	[tilespmem:$0x10100] =	vst v63  }
0xc8: {  	p0 =	sne.s32 s7, $0x1;
	s20 =	simm.s32 $0xF100  }
0xc9: {  	[hbm4b:s5+s2] =	stream.indirect_vreg.scatter [tilespmem:s20], [sflag:$0x1], $0x80, v3, vm0, $0xb8;
	[tilespmem:$0x10100] =	vst v63  }
.Ltmp0:
0xca: {  	_ = 	snop;
	(pc) =	sbr.rel @p0 .LBB2_1-.Ltmp0, $4  }
0xcb: {  	[hbm4b:s6+s2] =	stream.indirect_vreg.scatter [tilespmem:s1], [sflag:$0x1], $0x80, v3, vm0, $0xb8;
	[tilespmem:$0x10100] =	vst v63  }
0xcc: {  	_ =	swait.ge [sflag:s18], $0x10000  }
0xcd: {  	[sflag:s18] =	ssyncset.done $0x0  }
0xce: {  	s7 =	sadd.s32 $0xFFFFFFFF, s7;
	[sflag:s18] =	ssyncadd.s32 $0xFFFF0000  }
0xcf: {  	_ =	sfence.sel $0x180000  }
0xd0: {  	[bflag:$0x0] =	sbarrier.arrive $0xFFFF  }
0xd1: {  	_ =	strace $0x90000047  }
0xd2: {  	s0 =	stileid.u32;
	[bflag:$0x2] =	sbarrier.arrive $0xFFFF  }
0xd3: {  	p0 =	sne.s32 s0, $0x0;
	s0 =	rddreg [dreg:$0x2]  }
0xd4: {  	s0 =	sadd.s32 @!p0 $0x100000, s0  }
0xd5: {  	[sflag:s0] =	ssyncadd.tile.s32 @!p0 $0x1;
	_ =	shalt  }
.Lfunc_end2:
_tile_overlayer_lowered:
.L_overlay_start_2:
0xd6: {  	(tag) =	ssettag $0x2  }
0xd7: {  	s0 =	rddreg [dreg:$0x0];
	s2 =	stileid.u32  }
0xd8: {  	s1 =	rddreg [dreg:$0x1];
	p0 =	sne.s32 s2, $0x0  }
0xd9: {  	s3 =	rddreg [dreg:$0x2];
	[bflag:$0x3] =	sbarrier.arrive $0xFFFF;
	s2 =	simm.s32 @!p0 $0x1C02  }
0xda: {  	[timem:s3], [sflag:s2] =	dma.local @!p0 [hbm:s0], s1  }
0xdb: {  	s0 =	simm.s32 @!p0 $0x2  }
0xdc: {  	_ =	swait.ge @!p0 [sflag:s0], s1  }
0xdd: {  	s1 =	ssub.s32 @!p0 $0x0, s1;
	[sflag:s0] =	ssyncset.done @!p0 $0x0  }
0xde: {  	[sflag:s0] =	ssyncadd.s32 @!p0 s1  }
0xdf: {  	[bflag:$0x3] =	sbarrier.arrive $0xFFFF  }
0xe0: {  	_ =	shalt  }

</sc_bundles>
